<compile_context>
chip_gen: v7x
topology: tpu7x:2x2x1
jax: 0.10.2.dev20260603
libtpu: 0.0.44.dev20260713+nightly
codegen_flags: <defaults>
</compile_context>

<pallas_src>
import functools

import jax
import jax.numpy as jnp
from jax import lax
from jax.experimental import pallas as pl
from jax.experimental.pallas import tpu as pltpu
from jax.experimental.pallas import tpu_sc as plsc

VOCAB = 4096
NTOK = 8 * 2048
NCORES = 2
NSUB = 16
NW = NCORES * NSUB
TPW = NTOK // NW
G = 8
NBUF = 2
NG = TPW // G
LANES = 16
UNROLL = 8
B, T = 8, 2048
WPB = T // TPW


def _sc_body(idx_hbm, tgt_hbm, table_hbm,
             logits_hbm, sums_hbm, picked_hbm,
             idx_v, tgt_v, b0, b1, sums_v, picked_v,
             gs0, gs1, ws0, ws1):
    bufs = [b0, b1]
    gsems = [gs0, gs1]
    wsems = [ws0, ws1]
    wid = lax.axis_index("s") * NCORES + lax.axis_index("c")
    base = wid * TPW
    brow = wid // WPB
    tcol = (wid % WPB) * TPW

    pltpu.sync_copy(idx_hbm.at[brow, pl.ds(tcol, TPW)], idx_v)
    pltpu.sync_copy(tgt_hbm.at[brow, pl.ds(tcol, TPW)], tgt_v)

    rows16 = lax.iota(jnp.int32, 16)

    def start_gather(g, b):
        pltpu.make_async_copy(
            table_hbm.at[idx_v.at[pl.ds(g * G, G)]], bufs[b],
            gsems[b]).start()

    def wait_gather(g, b):
        pltpu.make_async_copy(
            table_hbm.at[idx_v.at[pl.ds(g * G, G)]], bufs[b],
            gsems[b]).wait()

    def start_wb(g, b):
        pltpu.make_async_copy(
            bufs[b], logits_hbm.at[brow, pl.ds(tcol + g * G, G)],
            wsems[b]).start()

    def wait_wb(g, b):
        pltpu.make_async_copy(
            bufs[b], logits_hbm.at[brow, pl.ds(tcol + g * G, G)],
            wsems[b]).wait()

    def compute(k, svec, pvec, tg_all):
        buf = bufs[k]

        def jbody(j, accs):
            col0 = j * (LANES * UNROLL)
            out = []
            for r in range(G):
                a = accs[r]
                for u in range(UNROLL):
                    v = buf[r, pl.ds(col0 + u * LANES, LANES)]
                    a = a + jnp.exp(v)
                out.append(a)
            return tuple(out)

        zero = jnp.zeros((LANES,), jnp.float32)
        accs = lax.fori_loop(0, VOCAB // (LANES * UNROLL), jbody, (zero,) * G)
        for r in range(G):
            svec = jnp.where(rows16 == G * k + r, jnp.sum(accs[r]), svec)
        mk = (rows16 >= G * k) & (rows16 < G * (k + 1))
        vals = plsc.load_gather(buf, [rows16 - G * k, tg_all], mask=mk)
        pvec = jnp.where(mk, vals, pvec)
        return svec, pvec

    for k in range(NBUF - 1):
        start_gather(k, k)

    def outer(t, carry):
        svec = jnp.zeros((LANES,), jnp.float32)
        pvec = jnp.zeros((LANES,), jnp.float32)
        tg_all = tgt_v[pl.ds(t * 16, 16)]
        for k in range(NBUF):
            g = NBUF * t + k
            nb = (k + NBUF - 1) % NBUF

            @pl.when(g + NBUF - 1 < NG)
            def _(g=g, nb=nb):
                @pl.when(g >= 1)
                def _():
                    wait_wb(g - 1, nb)
                start_gather(g + NBUF - 1, nb)

            wait_gather(g, k)
            start_wb(g, k)
            svec, pvec = compute(k, svec, pvec, tg_all)
        sums_v[pl.ds(t * 16, 16)] = svec
        picked_v[pl.ds(t * 16, 16)] = pvec
        return carry

    lax.fori_loop(0, NG // NBUF, outer, 0)
    for k in range(NBUF):
        wait_wb(NG - NBUF + k, k)

    pltpu.sync_copy(sums_v, sums_hbm.at[pl.ds(base, TPW)])
    pltpu.sync_copy(picked_v, picked_hbm.at[pl.ds(base, TPW)])


_sc_lookup = functools.partial(
    pl.kernel,
    mesh=plsc.VectorSubcoreMesh(core_axis_name="c", subcore_axis_name="s"),
    out_type=[
        jax.ShapeDtypeStruct((B, T, VOCAB), jnp.float32),
        jax.ShapeDtypeStruct((NTOK,), jnp.float32),
        jax.ShapeDtypeStruct((NTOK,), jnp.float32),
    ],
    compiler_params=pltpu.CompilerParams(needs_layout_passes=False),
    scratch_types=[
        pltpu.VMEM((TPW,), jnp.int32),
        pltpu.VMEM((TPW,), jnp.int32),
        pltpu.VMEM((G, VOCAB), jnp.float32),
        pltpu.VMEM((G, VOCAB), jnp.float32),
        pltpu.VMEM((TPW,), jnp.float32),
        pltpu.VMEM((TPW,), jnp.float32),
        pltpu.SemaphoreType.DMA,
        pltpu.SemaphoreType.DMA,
        pltpu.SemaphoreType.DMA,
        pltpu.SemaphoreType.DMA,
    ],
)(_sc_body)


def _loss_body(s_ref, p_ref, o_ref):
    o_ref[0, 0] = jnp.mean(jnp.log(s_ref[...])) - jnp.mean(p_ref[...])


_loss = pl.pallas_call(
    _loss_body,
    out_shape=jax.ShapeDtypeStruct((1, 1), jnp.float32),
    out_specs=pl.BlockSpec(memory_space=pltpu.SMEM),
)


def kernel(idx, targets, table):
    logits, sums, picked = _sc_lookup(idx, targets, table)
    loss = _loss(sums.reshape(128, 128), picked.reshape(128, 128))
    return logits, loss[0, 0]

# --- scband reference (transcript-rebuilt; emitter-appended) ---
"""Pipeline reference for scband-bigram-language-model-47201690583142 (READ-ONLY COPY).

The authoritative reference and input builder live on the scoring server;
editing this copy changes nothing except your own understanding.
"""

import jax, jax.numpy as jnp
import numpy as np

VOCAB = 4096
B, T = 8, 2048

def setup_inputs(seed: int = 0) -> dict:
    key = jax.random.key(seed)
    k1, k2, k3 = jax.random.split(key, 3)
    idx = jax.random.randint(k1, (B, T), 0, VOCAB, dtype=jnp.int32)
    targets = jax.random.randint(k2, (B, T), 0, VOCAB, dtype=jnp.int32)
    # nn.Embed table: [num_embeddings=vocab_size, features=vocab_size]
    table = jax.random.normal(k3, (VOCAB, VOCAB), dtype=jnp.float32) * 0.02
    return {"idx": idx, "targets": targets, "table": table}

def reference(idx, targets, table):
    # logits = nn.Embed(vocab, vocab)(idx)  -> gather rows of table
    logits = jnp.take(table, idx, axis=0)  # [B, T, V]
    # rearrange 'b t c -> (b t) c'
    logits_reshaped = logits.reshape(-1, VOCAB)  # [B*T, V]
    tgt = targets.reshape(-1)  # [B*T]
    # optax.softmax_cross_entropy_with_integer_labels
    lse = jax.scipy.special.logsumexp(logits_reshaped, axis=-1)  # [B*T]
    picked = jnp.take_along_axis(logits_reshaped, tgt[:, None].astype(jnp.int32), axis=1).squeeze(-1)
    loss = lse - picked
    return (logits, jnp.mean(loss))

if __name__ == "__main__":
    import jax
    _d = setup_inputs()
    print(jax.jit(kernel)(*tuple(_d.values())))

</pallas_src>

<mosaic_0001>
#map = affine_map<(d0, d1) -> (0, 0)>
#map1 = affine_map<(d0, d1) -> (0, 0, 0)>
#map2 = affine_map<(d0, d1) -> (0)>
module attributes {stable_mosaic.version = 14 : i64} {
  func.func @_sc_body(%arg0: i32, %arg1: i32, %arg2: memref<8x2048xi32, #tpu.memory_space<hbm>>, %arg3: memref<8x2048xi32, #tpu.memory_space<hbm>>, %arg4: memref<4096x4096xf32, #tpu.memory_space<hbm>>, %arg5: memref<8x2048x4096xf32, #tpu.memory_space<hbm>>, %arg6: memref<16384xf32, #tpu.memory_space<hbm>>, %arg7: memref<16384xf32, #tpu.memory_space<hbm>>, %arg8: memref<512xi32, #tpu.memory_space<vmem>>, %arg9: memref<512xi32, #tpu.memory_space<vmem>>, %arg10: memref<8x4096xf32, #tpu.memory_space<vmem>>, %arg11: memref<8x4096xf32, #tpu.memory_space<vmem>>, %arg12: memref<512xf32, #tpu.memory_space<vmem>>, %arg13: memref<512xf32, #tpu.memory_space<vmem>>, %arg14: memref<!tpu.dma_semaphore, #tpu.memory_space<semaphore_mem>>, %arg15: memref<!tpu.dma_semaphore, #tpu.memory_space<semaphore_mem>>, %arg16: memref<!tpu.dma_semaphore, #tpu.memory_space<semaphore_mem>>, %arg17: memref<!tpu.dma_semaphore, #tpu.memory_space<semaphore_mem>>) attributes {dimension_semantics = [#tpu.dimension_semantics<core_parallel>, #tpu.dimension_semantics<subcore_parallel>], iteration_bounds = array<i64: 2, 16>, scalar_prefetch = 0 : i64, scratch_operands = 10 : i64, tpu.core_type = #tpu.core_type<sc_vector_subcore>, window_params = [{transform_indices = #map}, {transform_indices = #map}, {transform_indices = #map}, {transform_indices = #map1}, {transform_indices = #map2}, {transform_indices = #map2}]} {
    %mul3A = arith.constant 2 : i32
    %mul3A_0 = arith.muli %arg1, %mul3A : i32
    %add3A = arith.addi %mul3A_0, %arg0 : i32
    %mul3A_1 = arith.constant 512 : i32
    %mul3A_2 = arith.muli %add3A, %mul3A_1 : i32
    %jit3A = arith.constant 4 : i32
    %div3A = arith.divsi %add3A, %jit3A : i32
    %sign3A = arith.constant 0 : i32
    %sign3A_3 = arith.cmpi sgt, %add3A, %sign3A : i32
    %sign3A_4 = arith.extui %sign3A_3 : i1 to i32
    %sign3A_5 = arith.constant 0 : i32
    %sign3A_6 = arith.cmpi slt, %add3A, %sign3A_5 : i32
    %sign3A_7 = arith.extui %sign3A_6 : i1 to i32
    %sign3A_8 = arith.subi %sign3A_4, %sign3A_7 : i32
    %sign3A_9 = arith.constant 0 : i32
    %sign3A_10 = arith.cmpi sgt, %jit3A, %sign3A_9 : i32
    %sign3A_11 = arith.extui %sign3A_10 : i1 to i32
    %sign3A_12 = arith.constant 0 : i32
    %sign3A_13 = arith.cmpi slt, %jit3A, %sign3A_12 : i32
    %sign3A_14 = arith.extui %sign3A_13 : i1 to i32
    %sign3A_15 = arith.subi %sign3A_11, %sign3A_14 : i32
    %ne3A = arith.cmpi ne, %sign3A_8, %sign3A_15 : i32
    %rem3A = arith.remsi %add3A, %jit3A : i32
    %ne3A_16 = arith.constant 0 : i32
    %ne3A_17 = arith.cmpi ne, %rem3A, %ne3A_16 : i32
    %and3A = arith.andi %ne3A, %ne3A_17 : i1
    %sub3A = arith.constant 1 : i32
    %sub3A_18 = arith.subi %div3A, %sub3A : i32
    %select_n3A = arith.select %and3A, %sub3A_18, %div3A : i32
    %jit3A_19 = arith.constant 4 : i32
    %eq3A = arith.constant 0 : i32
    %eq3A_20 = arith.cmpi eq, %jit3A_19, %eq3A : i32
    %jit3A_21 = arith.constant 1 : i32
    %select_n3A_22 = arith.select %eq3A_20, %jit3A_21, %jit3A_19 : i32
    %rem3A_23 = arith.remsi %add3A, %select_n3A_22 : i32
    %ne3A_24 = arith.constant 0 : i32
    %ne3A_25 = arith.cmpi ne, %rem3A_23, %ne3A_24 : i32
    %lt3A = arith.constant 0 : i32
    %lt3A_26 = arith.cmpi slt, %rem3A_23, %lt3A : i32
    %lt3A_27 = arith.constant 0 : i32
    %lt3A_28 = arith.cmpi slt, %select_n3A_22, %lt3A_27 : i32
    %ne3A_29 = arith.xori %lt3A_26, %lt3A_28 : i1
    %and3A_30 = arith.andi %ne3A_29, %ne3A_25 : i1
    %add3A_31 = arith.addi %rem3A_23, %select_n3A_22 : i32
    %select_n3A_32 = arith.select %and3A_30, %add3A_31, %rem3A_23 : i32
    %mul3A_33 = arith.constant 512 : i32
    %mul3A_34 = arith.muli %select_n3A_32, %mul3A_33 : i32
    "tpu.region"() ({
      %run_scoped3A = tpu.sem_alloc : memref<!tpu.dma_semaphore, #tpu.memory_space<semaphore_mem>>
      %dma_start3A_59 = tpu.memref_slice %arg2[%select_n3A, %mul3A_34] : memref<8x2048xi32, #tpu.memory_space<hbm>> -> memref<1x512xi32, #tpu.memory_space<hbm>>
      %dma_start3A_60 = tpu.memref_squeeze %dma_start3A_59 : memref<1x512xi32, #tpu.memory_space<hbm>> -> memref<512xi32, #tpu.memory_space<hbm>>
      %dma_start3A_61 = tpu.memref_slice %arg2[%select_n3A, %mul3A_34] : memref<8x2048xi32, #tpu.memory_space<hbm>> -> memref<1x512xi32, #tpu.memory_space<hbm>>
      %dma_start3A_62 = tpu.memref_squeeze %dma_start3A_61 : memref<1x512xi32, #tpu.memory_space<hbm>> -> memref<512xi32, #tpu.memory_space<hbm>>
      tpu.enqueue_dma source(%dma_start3A_62 : memref<512xi32, #tpu.memory_space<hbm>>) target(%arg8 : memref<512xi32, #tpu.memory_space<vmem>>) target_semaphore(%run_scoped3A : memref<!tpu.dma_semaphore, #tpu.memory_space<semaphore_mem>>)
      %dma_wait3A_63 = tpu.memref_slice %arg2[%select_n3A, %mul3A_34] : memref<8x2048xi32, #tpu.memory_space<hbm>> -> memref<1x512xi32, #tpu.memory_space<hbm>>
      %dma_wait3A_64 = tpu.memref_squeeze %dma_wait3A_63 : memref<1x512xi32, #tpu.memory_space<hbm>> -> memref<512xi32, #tpu.memory_space<hbm>>
      %dma_wait3A_65 = tpu.memref_slice %arg2[%select_n3A, %mul3A_34] : memref<8x2048xi32, #tpu.memory_space<hbm>> -> memref<1x512xi32, #tpu.memory_space<hbm>>
      %dma_wait3A_66 = tpu.memref_squeeze %dma_wait3A_65 : memref<1x512xi32, #tpu.memory_space<hbm>> -> memref<512xi32, #tpu.memory_space<hbm>>
      tpu.wait_dma2 semaphore(%run_scoped3A : memref<!tpu.dma_semaphore, #tpu.memory_space<semaphore_mem>>) src(%dma_wait3A_66 : memref<512xi32, #tpu.memory_space<hbm>>) dst(%arg8 : memref<512xi32, #tpu.memory_space<vmem>>)
      tpu.yield
    }) : () -> ()
    "tpu.region"() ({
      %run_scoped3A = tpu.sem_alloc : memref<!tpu.dma_semaphore, #tpu.memory_space<semaphore_mem>>
      %dma_start3A_59 = tpu.memref_slice %arg3[%select_n3A, %mul3A_34] : memref<8x2048xi32, #tpu.memory_space<hbm>> -> memref<1x512xi32, #tpu.memory_space<hbm>>
      %dma_start3A_60 = tpu.memref_squeeze %dma_start3A_59 : memref<1x512xi32, #tpu.memory_space<hbm>> -> memref<512xi32, #tpu.memory_space<hbm>>
      %dma_start3A_61 = tpu.memref_slice %arg3[%select_n3A, %mul3A_34] : memref<8x2048xi32, #tpu.memory_space<hbm>> -> memref<1x512xi32, #tpu.memory_space<hbm>>
      %dma_start3A_62 = tpu.memref_squeeze %dma_start3A_61 : memref<1x512xi32, #tpu.memory_space<hbm>> -> memref<512xi32, #tpu.memory_space<hbm>>
      tpu.enqueue_dma source(%dma_start3A_62 : memref<512xi32, #tpu.memory_space<hbm>>) target(%arg9 : memref<512xi32, #tpu.memory_space<vmem>>) target_semaphore(%run_scoped3A : memref<!tpu.dma_semaphore, #tpu.memory_space<semaphore_mem>>)
      %dma_wait3A_63 = tpu.memref_slice %arg3[%select_n3A, %mul3A_34] : memref<8x2048xi32, #tpu.memory_space<hbm>> -> memref<1x512xi32, #tpu.memory_space<hbm>>
      %dma_wait3A_64 = tpu.memref_squeeze %dma_wait3A_63 : memref<1x512xi32, #tpu.memory_space<hbm>> -> memref<512xi32, #tpu.memory_space<hbm>>
      %dma_wait3A_65 = tpu.memref_slice %arg3[%select_n3A, %mul3A_34] : memref<8x2048xi32, #tpu.memory_space<hbm>> -> memref<1x512xi32, #tpu.memory_space<hbm>>
      %dma_wait3A_66 = tpu.memref_squeeze %dma_wait3A_65 : memref<1x512xi32, #tpu.memory_space<hbm>> -> memref<512xi32, #tpu.memory_space<hbm>>
      tpu.wait_dma2 semaphore(%run_scoped3A : memref<!tpu.dma_semaphore, #tpu.memory_space<semaphore_mem>>) src(%dma_wait3A_66 : memref<512xi32, #tpu.memory_space<hbm>>) dst(%arg9 : memref<512xi32, #tpu.memory_space<vmem>>)
      tpu.yield
    }) : () -> ()
    %iota3A = tpu.iota {dimensions = array<i32: 0>} : vector<16xi32>
    %dma_start3A = arith.constant 0 : i32
    %dma_start3A_35 = tpu.memref_slice %arg8[%dma_start3A] : memref<512xi32, #tpu.memory_space<vmem>> -> memref<8xi32, #tpu.memory_space<vmem>>
    %dma_start3A_36 = arith.constant 0 : i32
    %dma_start3A_37 = arith.constant 0 : i32
    %dma_start3A_38 = tpu.memref_slice %arg4[%dma_start3A_36, %dma_start3A_37] : memref<4096x4096xf32, #tpu.memory_space<hbm>> -> memref<4096x4096xf32, #tpu.memory_space<hbm>>
    tpu.enqueue_indirect_dma source(%dma_start3A_38 : memref<4096x4096xf32, #tpu.memory_space<hbm>>) target(%arg10 : memref<8x4096xf32, #tpu.memory_space<vmem>>) offsets(%dma_start3A_35 : memref<8xi32, #tpu.memory_space<vmem>>) semaphore(%arg14 : memref<!tpu.dma_semaphore, #tpu.memory_space<semaphore_mem>>)
    %scan3A = arith.constant 0 : i32
    %scan3A_39 = arith.constant 0 : i32
    %scan3A_40 = arith.constant 32 : i32
    %scan3A_41 = arith.addi %scan3A_39, %scan3A_40 : i32
    %scan3A_42 = arith.constant 1 : i32
    scf.for %scan3A_59 = %scan3A_39 to %scan3A_41 step %scan3A_42  : i32 {
      %broadcast_in_dim3A = arith.constant 0.000000e+00 : f32
      %broadcast_in_dim3A_60 = vector.broadcast %broadcast_in_dim3A : f32 to vector<16xf32>
      %broadcast_in_dim3A_61 = arith.constant 0.000000e+00 : f32
      %broadcast_in_dim3A_62 = vector.broadcast %broadcast_in_dim3A_61 : f32 to vector<16xf32>
      %mul3A_63 = arith.constant 16 : i32
      %mul3A_64 = arith.muli %scan3A_59, %mul3A_63 : i32
      %get3A = arith.index_cast %mul3A_64 : i32 to index
      %get3A_65 = tpu.vector_load %arg9[%get3A] {strides = array<i32>} : memref<512xi32, #tpu.memory_space<vmem>>, vector<16xi32>,
      %mul3A_66 = arith.constant 2 : i32
      %mul3A_67 = arith.muli %mul3A_66, %scan3A_59 : i32
      %add3A_68 = arith.constant 0 : i32
      %add3A_69 = arith.addi %mul3A_67, %add3A_68 : i32
      %add3A_70 = arith.constant 2 : i32
      %add3A_71 = arith.addi %add3A_69, %add3A_70 : i32
      %sub3A_72 = arith.constant 1 : i32
      %sub3A_73 = arith.subi %add3A_71, %sub3A_72 : i32
      %lt3A_74 = arith.constant 64 : i32
      %lt3A_75 = arith.cmpi slt, %sub3A_73, %lt3A_74 : i32
      %convert_element_type3A = arith.extui %lt3A_75 : i1 to i32
      %cond3A = arith.constant 0 : i32
      %cond3A_76 = arith.cmpi ne, %convert_element_type3A, %cond3A : i32
      scf.if %cond3A_76 {
        %ge3A_308 = arith.constant 1 : i32
        %ge3A_309 = arith.cmpi sge, %add3A_69, %ge3A_308 : i32
        %convert_element_type3A_310 = arith.extui %ge3A_309 : i1 to i32
        %cond3A_311 = arith.constant 0 : i32
        %cond3A_312 = arith.cmpi ne, %convert_element_type3A_310, %cond3A_311 : i32
        scf.if %cond3A_312 {
          %sub3A_323 = arith.constant 1 : i32
          %sub3A_324 = arith.subi %add3A_69, %sub3A_323 : i32
          %mul3A_325 = arith.constant 8 : i32
          %mul3A_326 = arith.muli %sub3A_324, %mul3A_325 : i32
          %add3A_327 = arith.addi %mul3A_34, %mul3A_326 : i32
          %dma_wait3A_328 = arith.constant 0 : i32
          %dma_wait3A_329 = tpu.memref_slice %arg5[%select_n3A, %add3A_327, %dma_wait3A_328] : memref<8x2048x4096xf32, #tpu.memory_space<hbm>> -> memref<1x8x4096xf32, #tpu.memory_space<hbm>>
          %dma_wait3A_330 = tpu.memref_squeeze %dma_wait3A_329 : memref<1x8x4096xf32, #tpu.memory_space<hbm>> -> memref<8x4096xf32, #tpu.memory_space<hbm>>
          %dma_wait3A_331 = arith.constant 0 : i32
          %dma_wait3A_332 = tpu.memref_slice %arg5[%select_n3A, %add3A_327, %dma_wait3A_331] : memref<8x2048x4096xf32, #tpu.memory_space<hbm>> -> memref<1x8x4096xf32, #tpu.memory_space<hbm>>
          %dma_wait3A_333 = tpu.memref_squeeze %dma_wait3A_332 : memref<1x8x4096xf32, #tpu.memory_space<hbm>> -> memref<8x4096xf32, #tpu.memory_space<hbm>>
          tpu.wait_dma2 semaphore(%arg17 : memref<!tpu.dma_semaphore, #tpu.memory_space<semaphore_mem>>) src(%arg11 : memref<8x4096xf32, #tpu.memory_space<vmem>>) dst(%dma_wait3A_333 : memref<8x4096xf32, #tpu.memory_space<hbm>>)
        } else {
        }
        %add3A_313 = arith.constant 2 : i32
        %add3A_314 = arith.addi %add3A_69, %add3A_313 : i32
        %sub3A_315 = arith.constant 1 : i32
        %sub3A_316 = arith.subi %add3A_314, %sub3A_315 : i32
        %mul3A_317 = arith.constant 8 : i32
        %mul3A_318 = arith.muli %sub3A_316, %mul3A_317 : i32
        %dma_start3A_319 = tpu.memref_slice %arg8[%mul3A_318] : memref<512xi32, #tpu.memory_space<vmem>> -> memref<8xi32, #tpu.memory_space<vmem>>
        %dma_start3A_320 = arith.constant 0 : i32
        %dma_start3A_321 = arith.constant 0 : i32
        %dma_start3A_322 = tpu.memref_slice %arg4[%dma_start3A_320, %dma_start3A_321] : memref<4096x4096xf32, #tpu.memory_space<hbm>> -> memref<4096x4096xf32, #tpu.memory_space<hbm>>
        tpu.enqueue_indirect_dma source(%dma_start3A_322 : memref<4096x4096xf32, #tpu.memory_space<hbm>>) target(%arg11 : memref<8x4096xf32, #tpu.memory_space<vmem>>) offsets(%dma_start3A_319 : memref<8xi32, #tpu.memory_space<vmem>>) semaphore(%arg15 : memref<!tpu.dma_semaphore, #tpu.memory_space<semaphore_mem>>)
      } else {
      }
      %mul3A_77 = arith.constant 8 : i32
      %mul3A_78 = arith.muli %add3A_69, %mul3A_77 : i32
      %dma_wait3A_79 = tpu.memref_slice %arg8[%mul3A_78] : memref<512xi32, #tpu.memory_space<vmem>> -> memref<8xi32, #tpu.memory_space<vmem>>
      %dma_wait3A_80 = arith.constant 0 : i32
      %dma_wait3A_81 = arith.constant 0 : i32
      %dma_wait3A_82 = tpu.memref_slice %arg4[%dma_wait3A_80, %dma_wait3A_81] : memref<4096x4096xf32, #tpu.memory_space<hbm>> -> memref<4096x4096xf32, #tpu.memory_space<hbm>>
      tpu.wait_indirect_dma semaphore(%arg14 : memref<!tpu.dma_semaphore, #tpu.memory_space<semaphore_mem>>) src(%dma_wait3A_82 : memref<4096x4096xf32, #tpu.memory_space<hbm>>) dst(%arg10 : memref<8x4096xf32, #tpu.memory_space<vmem>>)
      %mul3A_83 = arith.constant 8 : i32
      %mul3A_84 = arith.muli %add3A_69, %mul3A_83 : i32
      %add3A_85 = arith.addi %mul3A_34, %mul3A_84 : i32
      %dma_start3A_86 = arith.constant 0 : i32
      %dma_start3A_87 = tpu.memref_slice %arg5[%select_n3A, %add3A_85, %dma_start3A_86] : memref<8x2048x4096xf32, #tpu.memory_space<hbm>> -> memref<1x8x4096xf32, #tpu.memory_space<hbm>>
      %dma_start3A_88 = tpu.memref_squeeze %dma_start3A_87 : memref<1x8x4096xf32, #tpu.memory_space<hbm>> -> memref<8x4096xf32, #tpu.memory_space<hbm>>
      %dma_start3A_89 = arith.constant 0 : i32
      %dma_start3A_90 = tpu.memref_slice %arg5[%select_n3A, %add3A_85, %dma_start3A_89] : memref<8x2048x4096xf32, #tpu.memory_space<hbm>> -> memref<1x8x4096xf32, #tpu.memory_space<hbm>>
      %dma_start3A_91 = tpu.memref_squeeze %dma_start3A_90 : memref<1x8x4096xf32, #tpu.memory_space<hbm>> -> memref<8x4096xf32, #tpu.memory_space<hbm>>
      tpu.enqueue_dma source(%arg10 : memref<8x4096xf32, #tpu.memory_space<vmem>>) target(%dma_start3A_91 : memref<8x4096xf32, #tpu.memory_space<hbm>>) target_semaphore(%arg16 : memref<!tpu.dma_semaphore, #tpu.memory_space<semaphore_mem>>)
      %broadcast_in_dim3A_92 = arith.constant 0.000000e+00 : f32
      %broadcast_in_dim3A_93 = vector.broadcast %broadcast_in_dim3A_92 : f32 to vector<16xf32>
      %scan3A_94 = arith.constant 0 : i32
      %scan3A_95 = arith.constant 32 : i32
      %scan3A_96 = arith.addi %scan3A_94, %scan3A_95 : i32
      %scan3A_97 = arith.constant 1 : i32
      %scan3A_98:8 = scf.for %scan3A_308 = %scan3A_94 to %scan3A_96 step %scan3A_97 iter_args(%scan3A_309 = %broadcast_in_dim3A_93, %scan3A_310 = %broadcast_in_dim3A_93, %scan3A_311 = %broadcast_in_dim3A_93, %scan3A_312 = %broadcast_in_dim3A_93, %scan3A_313 = %broadcast_in_dim3A_93, %scan3A_314 = %broadcast_in_dim3A_93, %scan3A_315 = %broadcast_in_dim3A_93, %scan3A_316 = %broadcast_in_dim3A_93) -> (vector<16xf32>, vector<16xf32>, vector<16xf32>, vector<16xf32>, vector<16xf32>, vector<16xf32>, vector<16xf32>, vector<16xf32>)  : i32 {
        %mul3A_317 = arith.constant 128 : i32
        %mul3A_318 = arith.muli %scan3A_308, %mul3A_317 : i32
        %add3A_319 = arith.constant 0 : i32
        %add3A_320 = arith.addi %mul3A_318, %add3A_319 : i32
        %get3A_321 = arith.constant 0 : i32
        %get3A_322 = arith.index_cast %get3A_321 : i32 to index
        %get3A_323 = arith.index_cast %add3A_320 : i32 to index
        %get3A_324 = tpu.vector_load %arg10[%get3A_322, %get3A_323] {strides = array<i32>} : memref<8x4096xf32, #tpu.memory_space<vmem>>, vector<16xf32>,
        %exp3A = math.exp %get3A_324 : vector<16xf32>
        %add3A_325 = arith.addf %scan3A_309, %exp3A : vector<16xf32>
        %add3A_326 = arith.constant 16 : i32
        %add3A_327 = arith.addi %mul3A_318, %add3A_326 : i32
        %get3A_328 = arith.constant 0 : i32
        %get3A_329 = arith.index_cast %get3A_328 : i32 to index
        %get3A_330 = arith.index_cast %add3A_327 : i32 to index
        %get3A_331 = tpu.vector_load %arg10[%get3A_329, %get3A_330] {strides = array<i32>} : memref<8x4096xf32, #tpu.memory_space<vmem>>, vector<16xf32>,
        %exp3A_332 = math.exp %get3A_331 : vector<16xf32>
        %add3A_333 = arith.addf %add3A_325, %exp3A_332 : vector<16xf32>
        %add3A_334 = arith.constant 32 : i32
        %add3A_335 = arith.addi %mul3A_318, %add3A_334 : i32
        %get3A_336 = arith.constant 0 : i32
        %get3A_337 = arith.index_cast %get3A_336 : i32 to index
        %get3A_338 = arith.index_cast %add3A_335 : i32 to index
        %get3A_339 = tpu.vector_load %arg10[%get3A_337, %get3A_338] {strides = array<i32>} : memref<8x4096xf32, #tpu.memory_space<vmem>>, vector<16xf32>,
        %exp3A_340 = math.exp %get3A_339 : vector<16xf32>
        %add3A_341 = arith.addf %add3A_333, %exp3A_340 : vector<16xf32>
        %add3A_342 = arith.constant 48 : i32
        %add3A_343 = arith.addi %mul3A_318, %add3A_342 : i32
        %get3A_344 = arith.constant 0 : i32
        %get3A_345 = arith.index_cast %get3A_344 : i32 to index
        %get3A_346 = arith.index_cast %add3A_343 : i32 to index
        %get3A_347 = tpu.vector_load %arg10[%get3A_345, %get3A_346] {strides = array<i32>} : memref<8x4096xf32, #tpu.memory_space<vmem>>, vector<16xf32>,
        %exp3A_348 = math.exp %get3A_347 : vector<16xf32>
        %add3A_349 = arith.addf %add3A_341, %exp3A_348 : vector<16xf32>
        %add3A_350 = arith.constant 64 : i32
        %add3A_351 = arith.addi %mul3A_318, %add3A_350 : i32
        %get3A_352 = arith.constant 0 : i32
        %get3A_353 = arith.index_cast %get3A_352 : i32 to index
        %get3A_354 = arith.index_cast %add3A_351 : i32 to index
        %get3A_355 = tpu.vector_load %arg10[%get3A_353, %get3A_354] {strides = array<i32>} : memref<8x4096xf32, #tpu.memory_space<vmem>>, vector<16xf32>,
        %exp3A_356 = math.exp %get3A_355 : vector<16xf32>
        %add3A_357 = arith.addf %add3A_349, %exp3A_356 : vector<16xf32>
        %add3A_358 = arith.constant 80 : i32
        %add3A_359 = arith.addi %mul3A_318, %add3A_358 : i32
        %get3A_360 = arith.constant 0 : i32
        %get3A_361 = arith.index_cast %get3A_360 : i32 to index
        %get3A_362 = arith.index_cast %add3A_359 : i32 to index
        %get3A_363 = tpu.vector_load %arg10[%get3A_361, %get3A_362] {strides = array<i32>} : memref<8x4096xf32, #tpu.memory_space<vmem>>, vector<16xf32>,
        %exp3A_364 = math.exp %get3A_363 : vector<16xf32>
        %add3A_365 = arith.addf %add3A_357, %exp3A_364 : vector<16xf32>
        %add3A_366 = arith.constant 96 : i32
        %add3A_367 = arith.addi %mul3A_318, %add3A_366 : i32
        %get3A_368 = arith.constant 0 : i32
        %get3A_369 = arith.index_cast %get3A_368 : i32 to index
        %get3A_370 = arith.index_cast %add3A_367 : i32 to index
        %get3A_371 = tpu.vector_load %arg10[%get3A_369, %get3A_370] {strides = array<i32>} : memref<8x4096xf32, #tpu.memory_space<vmem>>, vector<16xf32>,
        %exp3A_372 = math.exp %get3A_371 : vector<16xf32>
        %add3A_373 = arith.addf %add3A_365, %exp3A_372 : vector<16xf32>
        %add3A_374 = arith.constant 112 : i32
        %add3A_375 = arith.addi %mul3A_318, %add3A_374 : i32
        %get3A_376 = arith.constant 0 : i32
        %get3A_377 = arith.index_cast %get3A_376 : i32 to index
        %get3A_378 = arith.index_cast %add3A_375 : i32 to index
        %get3A_379 = tpu.vector_load %arg10[%get3A_377, %get3A_378] {strides = array<i32>} : memref<8x4096xf32, #tpu.memory_space<vmem>>, vector<16xf32>,
        %exp3A_380 = math.exp %get3A_379 : vector<16xf32>
        %add3A_381 = arith.addf %add3A_373, %exp3A_380 : vector<16xf32>
        %add3A_382 = arith.constant 0 : i32
        %add3A_383 = arith.addi %mul3A_318, %add3A_382 : i32
        %get3A_384 = arith.constant 1 : i32
        %get3A_385 = arith.index_cast %get3A_384 : i32 to index
        %get3A_386 = arith.index_cast %add3A_383 : i32 to index
        %get3A_387 = tpu.vector_load %arg10[%get3A_385, %get3A_386] {strides = array<i32>} : memref<8x4096xf32, #tpu.memory_space<vmem>>, vector<16xf32>,
        %exp3A_388 = math.exp %get3A_387 : vector<16xf32>
        %add3A_389 = arith.addf %scan3A_310, %exp3A_388 : vector<16xf32>
        %add3A_390 = arith.constant 16 : i32
        %add3A_391 = arith.addi %mul3A_318, %add3A_390 : i32
        %get3A_392 = arith.constant 1 : i32
        %get3A_393 = arith.index_cast %get3A_392 : i32 to index
        %get3A_394 = arith.index_cast %add3A_391 : i32 to index
        %get3A_395 = tpu.vector_load %arg10[%get3A_393, %get3A_394] {strides = array<i32>} : memref<8x4096xf32, #tpu.memory_space<vmem>>, vector<16xf32>,
        %exp3A_396 = math.exp %get3A_395 : vector<16xf32>
        %add3A_397 = arith.addf %add3A_389, %exp3A_396 : vector<16xf32>
        %add3A_398 = arith.constant 32 : i32
        %add3A_399 = arith.addi %mul3A_318, %add3A_398 : i32
        %get3A_400 = arith.constant 1 : i32
        %get3A_401 = arith.index_cast %get3A_400 : i32 to index
        %get3A_402 = arith.index_cast %add3A_399 : i32 to index
        %get3A_403 = tpu.vector_load %arg10[%get3A_401, %get3A_402] {strides = array<i32>} : memref<8x4096xf32, #tpu.memory_space<vmem>>, vector<16xf32>,
        %exp3A_404 = math.exp %get3A_403 : vector<16xf32>
        %add3A_405 = arith.addf %add3A_397, %exp3A_404 : vector<16xf32>
        %add3A_406 = arith.constant 48 : i32
        %add3A_407 = arith.addi %mul3A_318, %add3A_406 : i32
        %get3A_408 = arith.constant 1 : i32
        %get3A_409 = arith.index_cast %get3A_408 : i32 to index
        %get3A_410 = arith.index_cast %add3A_407 : i32 to index
        %get3A_411 = tpu.vector_load %arg10[%get3A_409, %get3A_410] {strides = array<i32>} : memref<8x4096xf32, #tpu.memory_space<vmem>>, vector<16xf32>,
        %exp3A_412 = math.exp %get3A_411 : vector<16xf32>
        %add3A_413 = arith.addf %add3A_405, %exp3A_412 : vector<16xf32>
        %add3A_414 = arith.constant 64 : i32
        %add3A_415 = arith.addi %mul3A_318, %add3A_414 : i32
        %get3A_416 = arith.constant 1 : i32
        %get3A_417 = arith.index_cast %get3A_416 : i32 to index
        %get3A_418 = arith.index_cast %add3A_415 : i32 to index
        %get3A_419 = tpu.vector_load %arg10[%get3A_417, %get3A_418] {strides = array<i32>} : memref<8x4096xf32, #tpu.memory_space<vmem>>, vector<16xf32>,
        %exp3A_420 = math.exp %get3A_419 : vector<16xf32>
        %add3A_421 = arith.addf %add3A_413, %exp3A_420 : vector<16xf32>
        %add3A_422 = arith.constant 80 : i32
        %add3A_423 = arith.addi %mul3A_318, %add3A_422 : i32
        %get3A_424 = arith.constant 1 : i32
        %get3A_425 = arith.index_cast %get3A_424 : i32 to index
        %get3A_426 = arith.index_cast %add3A_423 : i32 to index
        %get3A_427 = tpu.vector_load %arg10[%get3A_425, %get3A_426] {strides = array<i32>} : memref<8x4096xf32, #tpu.memory_space<vmem>>, vector<16xf32>,
        %exp3A_428 = math.exp %get3A_427 : vector<16xf32>
        %add3A_429 = arith.addf %add3A_421, %exp3A_428 : vector<16xf32>
        %add3A_430 = arith.constant 96 : i32
        %add3A_431 = arith.addi %mul3A_318, %add3A_430 : i32
        %get3A_432 = arith.constant 1 : i32
        %get3A_433 = arith.index_cast %get3A_432 : i32 to index
        %get3A_434 = arith.index_cast %add3A_431 : i32 to index
        %get3A_435 = tpu.vector_load %arg10[%get3A_433, %get3A_434] {strides = array<i32>} : memref<8x4096xf32, #tpu.memory_space<vmem>>, vector<16xf32>,
        %exp3A_436 = math.exp %get3A_435 : vector<16xf32>
        %add3A_437 = arith.addf %add3A_429, %exp3A_436 : vector<16xf32>
        %add3A_438 = arith.constant 112 : i32
        %add3A_439 = arith.addi %mul3A_318, %add3A_438 : i32
        %get3A_440 = arith.constant 1 : i32
        %get3A_441 = arith.index_cast %get3A_440 : i32 to index
        %get3A_442 = arith.index_cast %add3A_439 : i32 to index
        %get3A_443 = tpu.vector_load %arg10[%get3A_441, %get3A_442] {strides = array<i32>} : memref<8x4096xf32, #tpu.memory_space<vmem>>, vector<16xf32>,
        %exp3A_444 = math.exp %get3A_443 : vector<16xf32>
        %add3A_445 = arith.addf %add3A_437, %exp3A_444 : vector<16xf32>
        %add3A_446 = arith.constant 0 : i32
        %add3A_447 = arith.addi %mul3A_318, %add3A_446 : i32
        %get3A_448 = arith.constant 2 : i32
        %get3A_449 = arith.index_cast %get3A_448 : i32 to index
        %get3A_450 = arith.index_cast %add3A_447 : i32 to index
        %get3A_451 = tpu.vector_load %arg10[%get3A_449, %get3A_450] {strides = array<i32>} : memref<8x4096xf32, #tpu.memory_space<vmem>>, vector<16xf32>,
        %exp3A_452 = math.exp %get3A_451 : vector<16xf32>
        %add3A_453 = arith.addf %scan3A_311, %exp3A_452 : vector<16xf32>
        %add3A_454 = arith.constant 16 : i32
        %add3A_455 = arith.addi %mul3A_318, %add3A_454 : i32
        %get3A_456 = arith.constant 2 : i32
        %get3A_457 = arith.index_cast %get3A_456 : i32 to index
        %get3A_458 = arith.index_cast %add3A_455 : i32 to index
        %get3A_459 = tpu.vector_load %arg10[%get3A_457, %get3A_458] {strides = array<i32>} : memref<8x4096xf32, #tpu.memory_space<vmem>>, vector<16xf32>,
        %exp3A_460 = math.exp %get3A_459 : vector<16xf32>
        %add3A_461 = arith.addf %add3A_453, %exp3A_460 : vector<16xf32>
        %add3A_462 = arith.constant 32 : i32
        %add3A_463 = arith.addi %mul3A_318, %add3A_462 : i32
        %get3A_464 = arith.constant 2 : i32
        %get3A_465 = arith.index_cast %get3A_464 : i32 to index
        %get3A_466 = arith.index_cast %add3A_463 : i32 to index
        %get3A_467 = tpu.vector_load %arg10[%get3A_465, %get3A_466] {strides = array<i32>} : memref<8x4096xf32, #tpu.memory_space<vmem>>, vector<16xf32>,
        %exp3A_468 = math.exp %get3A_467 : vector<16xf32>
        %add3A_469 = arith.addf %add3A_461, %exp3A_468 : vector<16xf32>
        %add3A_470 = arith.constant 48 : i32
        %add3A_471 = arith.addi %mul3A_318, %add3A_470 : i32
        %get3A_472 = arith.constant 2 : i32
        %get3A_473 = arith.index_cast %get3A_472 : i32 to index
        %get3A_474 = arith.index_cast %add3A_471 : i32 to index
        %get3A_475 = tpu.vector_load %arg10[%get3A_473, %get3A_474] {strides = array<i32>} : memref<8x4096xf32, #tpu.memory_space<vmem>>, vector<16xf32>,
        %exp3A_476 = math.exp %get3A_475 : vector<16xf32>
        %add3A_477 = arith.addf %add3A_469, %exp3A_476 : vector<16xf32>
        %add3A_478 = arith.constant 64 : i32
        %add3A_479 = arith.addi %mul3A_318, %add3A_478 : i32
        %get3A_480 = arith.constant 2 : i32
        %get3A_481 = arith.index_cast %get3A_480 : i32 to index
        %get3A_482 = arith.index_cast %add3A_479 : i32 to index
        %get3A_483 = tpu.vector_load %arg10[%get3A_481, %get3A_482] {strides = array<i32>} : memref<8x4096xf32, #tpu.memory_space<vmem>>, vector<16xf32>,
        %exp3A_484 = math.exp %get3A_483 : vector<16xf32>
        %add3A_485 = arith.addf %add3A_477, %exp3A_484 : vector<16xf32>
        %add3A_486 = arith.constant 80 : i32
        %add3A_487 = arith.addi %mul3A_318, %add3A_486 : i32
        %get3A_488 = arith.constant 2 : i32
        %get3A_489 = arith.index_cast %get3A_488 : i32 to index
        %get3A_490 = arith.index_cast %add3A_487 : i32 to index
        %get3A_491 = tpu.vector_load %arg10[%get3A_489, %get3A_490] {strides = array<i32>} : memref<8x4096xf32, #tpu.memory_space<vmem>>, vector<16xf32>,
        %exp3A_492 = math.exp %get3A_491 : vector<16xf32>
        %add3A_493 = arith.addf %add3A_485, %exp3A_492 : vector<16xf32>
        %add3A_494 = arith.constant 96 : i32
        %add3A_495 = arith.addi %mul3A_318, %add3A_494 : i32
        %get3A_496 = arith.constant 2 : i32
        %get3A_497 = arith.index_cast %get3A_496 : i32 to index
        %get3A_498 = arith.index_cast %add3A_495 : i32 to index
        %get3A_499 = tpu.vector_load %arg10[%get3A_497, %get3A_498] {strides = array<i32>} : memref<8x4096xf32, #tpu.memory_space<vmem>>, vector<16xf32>,
        %exp3A_500 = math.exp %get3A_499 : vector<16xf32>
        %add3A_501 = arith.addf %add3A_493, %exp3A_500 : vector<16xf32>
        %add3A_502 = arith.constant 112 : i32
        %add3A_503 = arith.addi %mul3A_318, %add3A_502 : i32
        %get3A_504 = arith.constant 2 : i32
        %get3A_505 = arith.index_cast %get3A_504 : i32 to index
        %get3A_506 = arith.index_cast %add3A_503 : i32 to index
        %get3A_507 = tpu.vector_load %arg10[%get3A_505, %get3A_506] {strides = array<i32>} : memref<8x4096xf32, #tpu.memory_space<vmem>>, vector<16xf32>,
        %exp3A_508 = math.exp %get3A_507 : vector<16xf32>
        %add3A_509 = arith.addf %add3A_501, %exp3A_508 : vector<16xf32>
        %add3A_510 = arith.constant 0 : i32
        %add3A_511 = arith.addi %mul3A_318, %add3A_510 : i32
        %get3A_512 = arith.constant 3 : i32
        %get3A_513 = arith.index_cast %get3A_512 : i32 to index
        %get3A_514 = arith.index_cast %add3A_511 : i32 to index
        %get3A_515 = tpu.vector_load %arg10[%get3A_513, %get3A_514] {strides = array<i32>} : memref<8x4096xf32, #tpu.memory_space<vmem>>, vector<16xf32>,
        %exp3A_516 = math.exp %get3A_515 : vector<16xf32>
        %add3A_517 = arith.addf %scan3A_312, %exp3A_516 : vector<16xf32>
        %add3A_518 = arith.constant 16 : i32
        %add3A_519 = arith.addi %mul3A_318, %add3A_518 : i32
        %get3A_520 = arith.constant 3 : i32
        %get3A_521 = arith.index_cast %get3A_520 : i32 to index
        %get3A_522 = arith.index_cast %add3A_519 : i32 to index
        %get3A_523 = tpu.vector_load %arg10[%get3A_521, %get3A_522] {strides = array<i32>} : memref<8x4096xf32, #tpu.memory_space<vmem>>, vector<16xf32>,
        %exp3A_524 = math.exp %get3A_523 : vector<16xf32>
        %add3A_525 = arith.addf %add3A_517, %exp3A_524 : vector<16xf32>
        %add3A_526 = arith.constant 32 : i32
        %add3A_527 = arith.addi %mul3A_318, %add3A_526 : i32
        %get3A_528 = arith.constant 3 : i32
        %get3A_529 = arith.index_cast %get3A_528 : i32 to index
        %get3A_530 = arith.index_cast %add3A_527 : i32 to index
        %get3A_531 = tpu.vector_load %arg10[%get3A_529, %get3A_530] {strides = array<i32>} : memref<8x4096xf32, #tpu.memory_space<vmem>>, vector<16xf32>,
        %exp3A_532 = math.exp %get3A_531 : vector<16xf32>
        %add3A_533 = arith.addf %add3A_525, %exp3A_532 : vector<16xf32>
        %add3A_534 = arith.constant 48 : i32
        %add3A_535 = arith.addi %mul3A_318, %add3A_534 : i32
        %get3A_536 = arith.constant 3 : i32
        %get3A_537 = arith.index_cast %get3A_536 : i32 to index
        %get3A_538 = arith.index_cast %add3A_535 : i32 to index
        %get3A_539 = tpu.vector_load %arg10[%get3A_537, %get3A_538] {strides = array<i32>} : memref<8x4096xf32, #tpu.memory_space<vmem>>, vector<16xf32>,
        %exp3A_540 = math.exp %get3A_539 : vector<16xf32>
        %add3A_541 = arith.addf %add3A_533, %exp3A_540 : vector<16xf32>
        %add3A_542 = arith.constant 64 : i32
        %add3A_543 = arith.addi %mul3A_318, %add3A_542 : i32
        %get3A_544 = arith.constant 3 : i32
        %get3A_545 = arith.index_cast %get3A_544 : i32 to index
        %get3A_546 = arith.index_cast %add3A_543 : i32 to index
        %get3A_547 = tpu.vector_load %arg10[%get3A_545, %get3A_546] {strides = array<i32>} : memref<8x4096xf32, #tpu.memory_space<vmem>>, vector<16xf32>,
        %exp3A_548 = math.exp %get3A_547 : vector<16xf32>
        %add3A_549 = arith.addf %add3A_541, %exp3A_548 : vector<16xf32>
        %add3A_550 = arith.constant 80 : i32
        %add3A_551 = arith.addi %mul3A_318, %add3A_550 : i32
        %get3A_552 = arith.constant 3 : i32
        %get3A_553 = arith.index_cast %get3A_552 : i32 to index
        %get3A_554 = arith.index_cast %add3A_551 : i32 to index
        %get3A_555 = tpu.vector_load %arg10[%get3A_553, %get3A_554] {strides = array<i32>} : memref<8x4096xf32, #tpu.memory_space<vmem>>, vector<16xf32>,
        %exp3A_556 = math.exp %get3A_555 : vector<16xf32>
        %add3A_557 = arith.addf %add3A_549, %exp3A_556 : vector<16xf32>
        %add3A_558 = arith.constant 96 : i32
        %add3A_559 = arith.addi %mul3A_318, %add3A_558 : i32
        %get3A_560 = arith.constant 3 : i32
        %get3A_561 = arith.index_cast %get3A_560 : i32 to index
        %get3A_562 = arith.index_cast %add3A_559 : i32 to index
        %get3A_563 = tpu.vector_load %arg10[%get3A_561, %get3A_562] {strides = array<i32>} : memref<8x4096xf32, #tpu.memory_space<vmem>>, vector<16xf32>,
        %exp3A_564 = math.exp %get3A_563 : vector<16xf32>
        %add3A_565 = arith.addf %add3A_557, %exp3A_564 : vector<16xf32>
        %add3A_566 = arith.constant 112 : i32
        %add3A_567 = arith.addi %mul3A_318, %add3A_566 : i32
        %get3A_568 = arith.constant 3 : i32
        %get3A_569 = arith.index_cast %get3A_568 : i32 to index
        %get3A_570 = arith.index_cast %add3A_567 : i32 to index
        %get3A_571 = tpu.vector_load %arg10[%get3A_569, %get3A_570] {strides = array<i32>} : memref<8x4096xf32, #tpu.memory_space<vmem>>, vector<16xf32>,
        %exp3A_572 = math.exp %get3A_571 : vector<16xf32>
        %add3A_573 = arith.addf %add3A_565, %exp3A_572 : vector<16xf32>
        %add3A_574 = arith.constant 0 : i32
        %add3A_575 = arith.addi %mul3A_318, %add3A_574 : i32
        %get3A_576 = arith.constant 4 : i32
        %get3A_577 = arith.index_cast %get3A_576 : i32 to index
        %get3A_578 = arith.index_cast %add3A_575 : i32 to index
        %get3A_579 = tpu.vector_load %arg10[%get3A_577, %get3A_578] {strides = array<i32>} : memref<8x4096xf32, #tpu.memory_space<vmem>>, vector<16xf32>,
        %exp3A_580 = math.exp %get3A_579 : vector<16xf32>
        %add3A_581 = arith.addf %scan3A_313, %exp3A_580 : vector<16xf32>
        %add3A_582 = arith.constant 16 : i32
        %add3A_583 = arith.addi %mul3A_318, %add3A_582 : i32
        %get3A_584 = arith.constant 4 : i32
        %get3A_585 = arith.index_cast %get3A_584 : i32 to index
        %get3A_586 = arith.index_cast %add3A_583 : i32 to index
        %get3A_587 = tpu.vector_load %arg10[%get3A_585, %get3A_586] {strides = array<i32>} : memref<8x4096xf32, #tpu.memory_space<vmem>>, vector<16xf32>,
        %exp3A_588 = math.exp %get3A_587 : vector<16xf32>
        %add3A_589 = arith.addf %add3A_581, %exp3A_588 : vector<16xf32>
        %add3A_590 = arith.constant 32 : i32
        %add3A_591 = arith.addi %mul3A_318, %add3A_590 : i32
        %get3A_592 = arith.constant 4 : i32
        %get3A_593 = arith.index_cast %get3A_592 : i32 to index
        %get3A_594 = arith.index_cast %add3A_591 : i32 to index
        %get3A_595 = tpu.vector_load %arg10[%get3A_593, %get3A_594] {strides = array<i32>} : memref<8x4096xf32, #tpu.memory_space<vmem>>, vector<16xf32>,
        %exp3A_596 = math.exp %get3A_595 : vector<16xf32>
        %add3A_597 = arith.addf %add3A_589, %exp3A_596 : vector<16xf32>
        %add3A_598 = arith.constant 48 : i32
        %add3A_599 = arith.addi %mul3A_318, %add3A_598 : i32
        %get3A_600 = arith.constant 4 : i32
        %get3A_601 = arith.index_cast %get3A_600 : i32 to index
        %get3A_602 = arith.index_cast %add3A_599 : i32 to index
        %get3A_603 = tpu.vector_load %arg10[%get3A_601, %get3A_602] {strides = array<i32>} : memref<8x4096xf32, #tpu.memory_space<vmem>>, vector<16xf32>,
        %exp3A_604 = math.exp %get3A_603 : vector<16xf32>
        %add3A_605 = arith.addf %add3A_597, %exp3A_604 : vector<16xf32>
        %add3A_606 = arith.constant 64 : i32
        %add3A_607 = arith.addi %mul3A_318, %add3A_606 : i32
        %get3A_608 = arith.constant 4 : i32
        %get3A_609 = arith.index_cast %get3A_608 : i32 to index
        %get3A_610 = arith.index_cast %add3A_607 : i32 to index
        %get3A_611 = tpu.vector_load %arg10[%get3A_609, %get3A_610] {strides = array<i32>} : memref<8x4096xf32, #tpu.memory_space<vmem>>, vector<16xf32>,
        %exp3A_612 = math.exp %get3A_611 : vector<16xf32>
        %add3A_613 = arith.addf %add3A_605, %exp3A_612 : vector<16xf32>
        %add3A_614 = arith.constant 80 : i32
        %add3A_615 = arith.addi %mul3A_318, %add3A_614 : i32
        %get3A_616 = arith.constant 4 : i32
        %get3A_617 = arith.index_cast %get3A_616 : i32 to index
        %get3A_618 = arith.index_cast %add3A_615 : i32 to index
        %get3A_619 = tpu.vector_load %arg10[%get3A_617, %get3A_618] {strides = array<i32>} : memref<8x4096xf32, #tpu.memory_space<vmem>>, vector<16xf32>,
        %exp3A_620 = math.exp %get3A_619 : vector<16xf32>
        %add3A_621 = arith.addf %add3A_613, %exp3A_620 : vector<16xf32>
        %add3A_622 = arith.constant 96 : i32
        %add3A_623 = arith.addi %mul3A_318, %add3A_622 : i32
        %get3A_624 = arith.constant 4 : i32
        %get3A_625 = arith.index_cast %get3A_624 : i32 to index
        %get3A_626 = arith.index_cast %add3A_623 : i32 to index
        %get3A_627 = tpu.vector_load %arg10[%get3A_625, %get3A_626] {strides = array<i32>} : memref<8x4096xf32, #tpu.memory_space<vmem>>, vector<16xf32>,
        %exp3A_628 = math.exp %get3A_627 : vector<16xf32>
        %add3A_629 = arith.addf %add3A_621, %exp3A_628 : vector<16xf32>
        %add3A_630 = arith.constant 112 : i32
        %add3A_631 = arith.addi %mul3A_318, %add3A_630 : i32
        %get3A_632 = arith.constant 4 : i32
        %get3A_633 = arith.index_cast %get3A_632 : i32 to index
        %get3A_634 = arith.index_cast %add3A_631 : i32 to index
        %get3A_635 = tpu.vector_load %arg10[%get3A_633, %get3A_634] {strides = array<i32>} : memref<8x4096xf32, #tpu.memory_space<vmem>>, vector<16xf32>,
        %exp3A_636 = math.exp %get3A_635 : vector<16xf32>
        %add3A_637 = arith.addf %add3A_629, %exp3A_636 : vector<16xf32>
        %add3A_638 = arith.constant 0 : i32
        %add3A_639 = arith.addi %mul3A_318, %add3A_638 : i32
        %get3A_640 = arith.constant 5 : i32
        %get3A_641 = arith.index_cast %get3A_640 : i32 to index
        %get3A_642 = arith.index_cast %add3A_639 : i32 to index
        %get3A_643 = tpu.vector_load %arg10[%get3A_641, %get3A_642] {strides = array<i32>} : memref<8x4096xf32, #tpu.memory_space<vmem>>, vector<16xf32>,
        %exp3A_644 = math.exp %get3A_643 : vector<16xf32>
        %add3A_645 = arith.addf %scan3A_314, %exp3A_644 : vector<16xf32>
        %add3A_646 = arith.constant 16 : i32
        %add3A_647 = arith.addi %mul3A_318, %add3A_646 : i32
        %get3A_648 = arith.constant 5 : i32
        %get3A_649 = arith.index_cast %get3A_648 : i32 to index
        %get3A_650 = arith.index_cast %add3A_647 : i32 to index
        %get3A_651 = tpu.vector_load %arg10[%get3A_649, %get3A_650] {strides = array<i32>} : memref<8x4096xf32, #tpu.memory_space<vmem>>, vector<16xf32>,
        %exp3A_652 = math.exp %get3A_651 : vector<16xf32>
        %add3A_653 = arith.addf %add3A_645, %exp3A_652 : vector<16xf32>
        %add3A_654 = arith.constant 32 : i32
        %add3A_655 = arith.addi %mul3A_318, %add3A_654 : i32
        %get3A_656 = arith.constant 5 : i32
        %get3A_657 = arith.index_cast %get3A_656 : i32 to index
        %get3A_658 = arith.index_cast %add3A_655 : i32 to index
        %get3A_659 = tpu.vector_load %arg10[%get3A_657, %get3A_658] {strides = array<i32>} : memref<8x4096xf32, #tpu.memory_space<vmem>>, vector<16xf32>,
        %exp3A_660 = math.exp %get3A_659 : vector<16xf32>
        %add3A_661 = arith.addf %add3A_653, %exp3A_660 : vector<16xf32>
        %add3A_662 = arith.constant 48 : i32
        %add3A_663 = arith.addi %mul3A_318, %add3A_662 : i32
        %get3A_664 = arith.constant 5 : i32
        %get3A_665 = arith.index_cast %get3A_664 : i32 to index
        %get3A_666 = arith.index_cast %add3A_663 : i32 to index
        %get3A_667 = tpu.vector_load %arg10[%get3A_665, %get3A_666] {strides = array<i32>} : memref<8x4096xf32, #tpu.memory_space<vmem>>, vector<16xf32>,
        %exp3A_668 = math.exp %get3A_667 : vector<16xf32>
        %add3A_669 = arith.addf %add3A_661, %exp3A_668 : vector<16xf32>
        %add3A_670 = arith.constant 64 : i32
        %add3A_671 = arith.addi %mul3A_318, %add3A_670 : i32
        %get3A_672 = arith.constant 5 : i32
        %get3A_673 = arith.index_cast %get3A_672 : i32 to index
        %get3A_674 = arith.index_cast %add3A_671 : i32 to index
        %get3A_675 = tpu.vector_load %arg10[%get3A_673, %get3A_674] {strides = array<i32>} : memref<8x4096xf32, #tpu.memory_space<vmem>>, vector<16xf32>,
        %exp3A_676 = math.exp %get3A_675 : vector<16xf32>
        %add3A_677 = arith.addf %add3A_669, %exp3A_676 : vector<16xf32>
        %add3A_678 = arith.constant 80 : i32
        %add3A_679 = arith.addi %mul3A_318, %add3A_678 : i32
        %get3A_680 = arith.constant 5 : i32
        %get3A_681 = arith.index_cast %get3A_680 : i32 to index
        %get3A_682 = arith.index_cast %add3A_679 : i32 to index
        %get3A_683 = tpu.vector_load %arg10[%get3A_681, %get3A_682] {strides = array<i32>} : memref<8x4096xf32, #tpu.memory_space<vmem>>, vector<16xf32>,
        %exp3A_684 = math.exp %get3A_683 : vector<16xf32>
        %add3A_685 = arith.addf %add3A_677, %exp3A_684 : vector<16xf32>
        %add3A_686 = arith.constant 96 : i32
        %add3A_687 = arith.addi %mul3A_318, %add3A_686 : i32
        %get3A_688 = arith.constant 5 : i32
        %get3A_689 = arith.index_cast %get3A_688 : i32 to index
        %get3A_690 = arith.index_cast %add3A_687 : i32 to index
        %get3A_691 = tpu.vector_load %arg10[%get3A_689, %get3A_690] {strides = array<i32>} : memref<8x4096xf32, #tpu.memory_space<vmem>>, vector<16xf32>,
        %exp3A_692 = math.exp %get3A_691 : vector<16xf32>
        %add3A_693 = arith.addf %add3A_685, %exp3A_692 : vector<16xf32>
        %add3A_694 = arith.constant 112 : i32
        %add3A_695 = arith.addi %mul3A_318, %add3A_694 : i32
        %get3A_696 = arith.constant 5 : i32
        %get3A_697 = arith.index_cast %get3A_696 : i32 to index
        %get3A_698 = arith.index_cast %add3A_695 : i32 to index
        %get3A_699 = tpu.vector_load %arg10[%get3A_697, %get3A_698] {strides = array<i32>} : memref<8x4096xf32, #tpu.memory_space<vmem>>, vector<16xf32>,
        %exp3A_700 = math.exp %get3A_699 : vector<16xf32>
        %add3A_701 = arith.addf %add3A_693, %exp3A_700 : vector<16xf32>
        %add3A_702 = arith.constant 0 : i32
        %add3A_703 = arith.addi %mul3A_318, %add3A_702 : i32
        %get3A_704 = arith.constant 6 : i32
        %get3A_705 = arith.index_cast %get3A_704 : i32 to index
        %get3A_706 = arith.index_cast %add3A_703 : i32 to index
        %get3A_707 = tpu.vector_load %arg10[%get3A_705, %get3A_706] {strides = array<i32>} : memref<8x4096xf32, #tpu.memory_space<vmem>>, vector<16xf32>,
        %exp3A_708 = math.exp %get3A_707 : vector<16xf32>
        %add3A_709 = arith.addf %scan3A_315, %exp3A_708 : vector<16xf32>
        %add3A_710 = arith.constant 16 : i32
        %add3A_711 = arith.addi %mul3A_318, %add3A_710 : i32
        %get3A_712 = arith.constant 6 : i32
        %get3A_713 = arith.index_cast %get3A_712 : i32 to index
        %get3A_714 = arith.index_cast %add3A_711 : i32 to index
        %get3A_715 = tpu.vector_load %arg10[%get3A_713, %get3A_714] {strides = array<i32>} : memref<8x4096xf32, #tpu.memory_space<vmem>>, vector<16xf32>,
        %exp3A_716 = math.exp %get3A_715 : vector<16xf32>
        %add3A_717 = arith.addf %add3A_709, %exp3A_716 : vector<16xf32>
        %add3A_718 = arith.constant 32 : i32
        %add3A_719 = arith.addi %mul3A_318, %add3A_718 : i32
        %get3A_720 = arith.constant 6 : i32
        %get3A_721 = arith.index_cast %get3A_720 : i32 to index
        %get3A_722 = arith.index_cast %add3A_719 : i32 to index
        %get3A_723 = tpu.vector_load %arg10[%get3A_721, %get3A_722] {strides = array<i32>} : memref<8x4096xf32, #tpu.memory_space<vmem>>, vector<16xf32>,
        %exp3A_724 = math.exp %get3A_723 : vector<16xf32>
        %add3A_725 = arith.addf %add3A_717, %exp3A_724 : vector<16xf32>
        %add3A_726 = arith.constant 48 : i32
        %add3A_727 = arith.addi %mul3A_318, %add3A_726 : i32
        %get3A_728 = arith.constant 6 : i32
        %get3A_729 = arith.index_cast %get3A_728 : i32 to index
        %get3A_730 = arith.index_cast %add3A_727 : i32 to index
        %get3A_731 = tpu.vector_load %arg10[%get3A_729, %get3A_730] {strides = array<i32>} : memref<8x4096xf32, #tpu.memory_space<vmem>>, vector<16xf32>,
        %exp3A_732 = math.exp %get3A_731 : vector<16xf32>
        %add3A_733 = arith.addf %add3A_725, %exp3A_732 : vector<16xf32>
        %add3A_734 = arith.constant 64 : i32
        %add3A_735 = arith.addi %mul3A_318, %add3A_734 : i32
        %get3A_736 = arith.constant 6 : i32
        %get3A_737 = arith.index_cast %get3A_736 : i32 to index
        %get3A_738 = arith.index_cast %add3A_735 : i32 to index
        %get3A_739 = tpu.vector_load %arg10[%get3A_737, %get3A_738] {strides = array<i32>} : memref<8x4096xf32, #tpu.memory_space<vmem>>, vector<16xf32>,
        %exp3A_740 = math.exp %get3A_739 : vector<16xf32>
        %add3A_741 = arith.addf %add3A_733, %exp3A_740 : vector<16xf32>
        %add3A_742 = arith.constant 80 : i32
        %add3A_743 = arith.addi %mul3A_318, %add3A_742 : i32
        %get3A_744 = arith.constant 6 : i32
        %get3A_745 = arith.index_cast %get3A_744 : i32 to index
        %get3A_746 = arith.index_cast %add3A_743 : i32 to index
        %get3A_747 = tpu.vector_load %arg10[%get3A_745, %get3A_746] {strides = array<i32>} : memref<8x4096xf32, #tpu.memory_space<vmem>>, vector<16xf32>,
        %exp3A_748 = math.exp %get3A_747 : vector<16xf32>
        %add3A_749 = arith.addf %add3A_741, %exp3A_748 : vector<16xf32>
        %add3A_750 = arith.constant 96 : i32
        %add3A_751 = arith.addi %mul3A_318, %add3A_750 : i32
        %get3A_752 = arith.constant 6 : i32
        %get3A_753 = arith.index_cast %get3A_752 : i32 to index
        %get3A_754 = arith.index_cast %add3A_751 : i32 to index
        %get3A_755 = tpu.vector_load %arg10[%get3A_753, %get3A_754] {strides = array<i32>} : memref<8x4096xf32, #tpu.memory_space<vmem>>, vector<16xf32>,
        %exp3A_756 = math.exp %get3A_755 : vector<16xf32>
        %add3A_757 = arith.addf %add3A_749, %exp3A_756 : vector<16xf32>
        %add3A_758 = arith.constant 112 : i32
        %add3A_759 = arith.addi %mul3A_318, %add3A_758 : i32
        %get3A_760 = arith.constant 6 : i32
        %get3A_761 = arith.index_cast %get3A_760 : i32 to index
        %get3A_762 = arith.index_cast %add3A_759 : i32 to index
        %get3A_763 = tpu.vector_load %arg10[%get3A_761, %get3A_762] {strides = array<i32>} : memref<8x4096xf32, #tpu.memory_space<vmem>>, vector<16xf32>,
        %exp3A_764 = math.exp %get3A_763 : vector<16xf32>
        %add3A_765 = arith.addf %add3A_757, %exp3A_764 : vector<16xf32>
        %add3A_766 = arith.constant 0 : i32
        %add3A_767 = arith.addi %mul3A_318, %add3A_766 : i32
        %get3A_768 = arith.constant 7 : i32
        %get3A_769 = arith.index_cast %get3A_768 : i32 to index
        %get3A_770 = arith.index_cast %add3A_767 : i32 to index
        %get3A_771 = tpu.vector_load %arg10[%get3A_769, %get3A_770] {strides = array<i32>} : memref<8x4096xf32, #tpu.memory_space<vmem>>, vector<16xf32>,
        %exp3A_772 = math.exp %get3A_771 : vector<16xf32>
        %add3A_773 = arith.addf %scan3A_316, %exp3A_772 : vector<16xf32>
        %add3A_774 = arith.constant 16 : i32
        %add3A_775 = arith.addi %mul3A_318, %add3A_774 : i32
        %get3A_776 = arith.constant 7 : i32
        %get3A_777 = arith.index_cast %get3A_776 : i32 to index
        %get3A_778 = arith.index_cast %add3A_775 : i32 to index
        %get3A_779 = tpu.vector_load %arg10[%get3A_777, %get3A_778] {strides = array<i32>} : memref<8x4096xf32, #tpu.memory_space<vmem>>, vector<16xf32>,
        %exp3A_780 = math.exp %get3A_779 : vector<16xf32>
        %add3A_781 = arith.addf %add3A_773, %exp3A_780 : vector<16xf32>
        %add3A_782 = arith.constant 32 : i32
        %add3A_783 = arith.addi %mul3A_318, %add3A_782 : i32
        %get3A_784 = arith.constant 7 : i32
        %get3A_785 = arith.index_cast %get3A_784 : i32 to index
        %get3A_786 = arith.index_cast %add3A_783 : i32 to index
        %get3A_787 = tpu.vector_load %arg10[%get3A_785, %get3A_786] {strides = array<i32>} : memref<8x4096xf32, #tpu.memory_space<vmem>>, vector<16xf32>,
        %exp3A_788 = math.exp %get3A_787 : vector<16xf32>
        %add3A_789 = arith.addf %add3A_781, %exp3A_788 : vector<16xf32>
        %add3A_790 = arith.constant 48 : i32
        %add3A_791 = arith.addi %mul3A_318, %add3A_790 : i32
        %get3A_792 = arith.constant 7 : i32
        %get3A_793 = arith.index_cast %get3A_792 : i32 to index
        %get3A_794 = arith.index_cast %add3A_791 : i32 to index
        %get3A_795 = tpu.vector_load %arg10[%get3A_793, %get3A_794] {strides = array<i32>} : memref<8x4096xf32, #tpu.memory_space<vmem>>, vector<16xf32>,
        %exp3A_796 = math.exp %get3A_795 : vector<16xf32>
        %add3A_797 = arith.addf %add3A_789, %exp3A_796 : vector<16xf32>
        %add3A_798 = arith.constant 64 : i32
        %add3A_799 = arith.addi %mul3A_318, %add3A_798 : i32
        %get3A_800 = arith.constant 7 : i32
        %get3A_801 = arith.index_cast %get3A_800 : i32 to index
        %get3A_802 = arith.index_cast %add3A_799 : i32 to index
        %get3A_803 = tpu.vector_load %arg10[%get3A_801, %get3A_802] {strides = array<i32>} : memref<8x4096xf32, #tpu.memory_space<vmem>>, vector<16xf32>,
        %exp3A_804 = math.exp %get3A_803 : vector<16xf32>
        %add3A_805 = arith.addf %add3A_797, %exp3A_804 : vector<16xf32>
        %add3A_806 = arith.constant 80 : i32
        %add3A_807 = arith.addi %mul3A_318, %add3A_806 : i32
        %get3A_808 = arith.constant 7 : i32
        %get3A_809 = arith.index_cast %get3A_808 : i32 to index
        %get3A_810 = arith.index_cast %add3A_807 : i32 to index
        %get3A_811 = tpu.vector_load %arg10[%get3A_809, %get3A_810] {strides = array<i32>} : memref<8x4096xf32, #tpu.memory_space<vmem>>, vector<16xf32>,
        %exp3A_812 = math.exp %get3A_811 : vector<16xf32>
        %add3A_813 = arith.addf %add3A_805, %exp3A_812 : vector<16xf32>
        %add3A_814 = arith.constant 96 : i32
        %add3A_815 = arith.addi %mul3A_318, %add3A_814 : i32
        %get3A_816 = arith.constant 7 : i32
        %get3A_817 = arith.index_cast %get3A_816 : i32 to index
        %get3A_818 = arith.index_cast %add3A_815 : i32 to index
        %get3A_819 = tpu.vector_load %arg10[%get3A_817, %get3A_818] {strides = array<i32>} : memref<8x4096xf32, #tpu.memory_space<vmem>>, vector<16xf32>,
        %exp3A_820 = math.exp %get3A_819 : vector<16xf32>
        %add3A_821 = arith.addf %add3A_813, %exp3A_820 : vector<16xf32>
        %add3A_822 = arith.constant 112 : i32
        %add3A_823 = arith.addi %mul3A_318, %add3A_822 : i32
        %get3A_824 = arith.constant 7 : i32
        %get3A_825 = arith.index_cast %get3A_824 : i32 to index
        %get3A_826 = arith.index_cast %add3A_823 : i32 to index
        %get3A_827 = tpu.vector_load %arg10[%get3A_825, %get3A_826] {strides = array<i32>} : memref<8x4096xf32, #tpu.memory_space<vmem>>, vector<16xf32>,
        %exp3A_828 = math.exp %get3A_827 : vector<16xf32>
        %add3A_829 = arith.addf %add3A_821, %exp3A_828 : vector<16xf32>
        scf.yield %add3A_381, %add3A_445, %add3A_509, %add3A_573, %add3A_637, %add3A_701, %add3A_765, %add3A_829 : vector<16xf32>, vector<16xf32>, vector<16xf32>, vector<16xf32>, vector<16xf32>, vector<16xf32>, vector<16xf32>, vector<16xf32>
      }
      %scan3A_99 = arith.constant 32 : i32
      %eq3A_100 = arith.constant 0 : i32
      %eq3A_101 = vector.broadcast %eq3A_100 : i32 to vector<16xi32>
      %eq3A_102 = arith.cmpi eq, %iota3A, %eq3A_101 : vector<16xi32>
      %reduce_sum3A = arith.constant true
      %reduce_sum3A_103 = vector.broadcast %reduce_sum3A : i1 to vector<16xi1>
      %reduce_sum3A_104 = tpu.scan <sum>, %scan3A_98#0 masked %reduce_sum3A_103 : vector<16xf32>, vector<16xi1> -> vector<16xf32>
      %reduce_sum3A_105 = vector.extract %reduce_sum3A_104[15] : f32 from vector<16xf32>
      %broadcast_in_dim3A_106 = vector.broadcast %reduce_sum3A_105 : f32 to vector<16xf32>
      %select_n3A_107 = arith.select %eq3A_102, %broadcast_in_dim3A_106, %broadcast_in_dim3A_60 : vector<16xi1>, vector<16xf32>
      %eq3A_108 = arith.constant 1 : i32
      %eq3A_109 = vector.broadcast %eq3A_108 : i32 to vector<16xi32>
      %eq3A_110 = arith.cmpi eq, %iota3A, %eq3A_109 : vector<16xi32>
      %reduce_sum3A_111 = arith.constant true
      %reduce_sum3A_112 = vector.broadcast %reduce_sum3A_111 : i1 to vector<16xi1>
      %reduce_sum3A_113 = tpu.scan <sum>, %scan3A_98#1 masked %reduce_sum3A_112 : vector<16xf32>, vector<16xi1> -> vector<16xf32>
      %reduce_sum3A_114 = vector.extract %reduce_sum3A_113[15] : f32 from vector<16xf32>
      %broadcast_in_dim3A_115 = vector.broadcast %reduce_sum3A_114 : f32 to vector<16xf32>
      %select_n3A_116 = arith.select %eq3A_110, %broadcast_in_dim3A_115, %select_n3A_107 : vector<16xi1>, vector<16xf32>
      %eq3A_117 = arith.constant 2 : i32
      %eq3A_118 = vector.broadcast %eq3A_117 : i32 to vector<16xi32>
      %eq3A_119 = arith.cmpi eq, %iota3A, %eq3A_118 : vector<16xi32>
      %reduce_sum3A_120 = arith.constant true
      %reduce_sum3A_121 = vector.broadcast %reduce_sum3A_120 : i1 to vector<16xi1>
      %reduce_sum3A_122 = tpu.scan <sum>, %scan3A_98#2 masked %reduce_sum3A_121 : vector<16xf32>, vector<16xi1> -> vector<16xf32>
      %reduce_sum3A_123 = vector.extract %reduce_sum3A_122[15] : f32 from vector<16xf32>
      %broadcast_in_dim3A_124 = vector.broadcast %reduce_sum3A_123 : f32 to vector<16xf32>
      %select_n3A_125 = arith.select %eq3A_119, %broadcast_in_dim3A_124, %select_n3A_116 : vector<16xi1>, vector<16xf32>
      %eq3A_126 = arith.constant 3 : i32
      %eq3A_127 = vector.broadcast %eq3A_126 : i32 to vector<16xi32>
      %eq3A_128 = arith.cmpi eq, %iota3A, %eq3A_127 : vector<16xi32>
      %reduce_sum3A_129 = arith.constant true
      %reduce_sum3A_130 = vector.broadcast %reduce_sum3A_129 : i1 to vector<16xi1>
      %reduce_sum3A_131 = tpu.scan <sum>, %scan3A_98#3 masked %reduce_sum3A_130 : vector<16xf32>, vector<16xi1> -> vector<16xf32>
      %reduce_sum3A_132 = vector.extract %reduce_sum3A_131[15] : f32 from vector<16xf32>
      %broadcast_in_dim3A_133 = vector.broadcast %reduce_sum3A_132 : f32 to vector<16xf32>
      %select_n3A_134 = arith.select %eq3A_128, %broadcast_in_dim3A_133, %select_n3A_125 : vector<16xi1>, vector<16xf32>
      %eq3A_135 = arith.constant 4 : i32
      %eq3A_136 = vector.broadcast %eq3A_135 : i32 to vector<16xi32>
      %eq3A_137 = arith.cmpi eq, %iota3A, %eq3A_136 : vector<16xi32>
      %reduce_sum3A_138 = arith.constant true
      %reduce_sum3A_139 = vector.broadcast %reduce_sum3A_138 : i1 to vector<16xi1>
      %reduce_sum3A_140 = tpu.scan <sum>, %scan3A_98#4 masked %reduce_sum3A_139 : vector<16xf32>, vector<16xi1> -> vector<16xf32>
      %reduce_sum3A_141 = vector.extract %reduce_sum3A_140[15] : f32 from vector<16xf32>
      %broadcast_in_dim3A_142 = vector.broadcast %reduce_sum3A_141 : f32 to vector<16xf32>
      %select_n3A_143 = arith.select %eq3A_137, %broadcast_in_dim3A_142, %select_n3A_134 : vector<16xi1>, vector<16xf32>
      %eq3A_144 = arith.constant 5 : i32
      %eq3A_145 = vector.broadcast %eq3A_144 : i32 to vector<16xi32>
      %eq3A_146 = arith.cmpi eq, %iota3A, %eq3A_145 : vector<16xi32>
      %reduce_sum3A_147 = arith.constant true
      %reduce_sum3A_148 = vector.broadcast %reduce_sum3A_147 : i1 to vector<16xi1>
      %reduce_sum3A_149 = tpu.scan <sum>, %scan3A_98#5 masked %reduce_sum3A_148 : vector<16xf32>, vector<16xi1> -> vector<16xf32>
      %reduce_sum3A_150 = vector.extract %reduce_sum3A_149[15] : f32 from vector<16xf32>
      %broadcast_in_dim3A_151 = vector.broadcast %reduce_sum3A_150 : f32 to vector<16xf32>
      %select_n3A_152 = arith.select %eq3A_146, %broadcast_in_dim3A_151, %select_n3A_143 : vector<16xi1>, vector<16xf32>
      %eq3A_153 = arith.constant 6 : i32
      %eq3A_154 = vector.broadcast %eq3A_153 : i32 to vector<16xi32>
      %eq3A_155 = arith.cmpi eq, %iota3A, %eq3A_154 : vector<16xi32>
      %reduce_sum3A_156 = arith.constant true
      %reduce_sum3A_157 = vector.broadcast %reduce_sum3A_156 : i1 to vector<16xi1>
      %reduce_sum3A_158 = tpu.scan <sum>, %scan3A_98#6 masked %reduce_sum3A_157 : vector<16xf32>, vector<16xi1> -> vector<16xf32>
      %reduce_sum3A_159 = vector.extract %reduce_sum3A_158[15] : f32 from vector<16xf32>
      %broadcast_in_dim3A_160 = vector.broadcast %reduce_sum3A_159 : f32 to vector<16xf32>
      %select_n3A_161 = arith.select %eq3A_155, %broadcast_in_dim3A_160, %select_n3A_152 : vector<16xi1>, vector<16xf32>
      %eq3A_162 = arith.constant 7 : i32
      %eq3A_163 = vector.broadcast %eq3A_162 : i32 to vector<16xi32>
      %eq3A_164 = arith.cmpi eq, %iota3A, %eq3A_163 : vector<16xi32>
      %reduce_sum3A_165 = arith.constant true
      %reduce_sum3A_166 = vector.broadcast %reduce_sum3A_165 : i1 to vector<16xi1>
      %reduce_sum3A_167 = tpu.scan <sum>, %scan3A_98#7 masked %reduce_sum3A_166 : vector<16xf32>, vector<16xi1> -> vector<16xf32>
      %reduce_sum3A_168 = vector.extract %reduce_sum3A_167[15] : f32 from vector<16xf32>
      %broadcast_in_dim3A_169 = vector.broadcast %reduce_sum3A_168 : f32 to vector<16xf32>
      %select_n3A_170 = arith.select %eq3A_164, %broadcast_in_dim3A_169, %select_n3A_161 : vector<16xi1>, vector<16xf32>
      %ge3A = arith.constant 0 : i32
      %ge3A_171 = vector.broadcast %ge3A : i32 to vector<16xi32>
      %ge3A_172 = arith.cmpi sge, %iota3A, %ge3A_171 : vector<16xi32>
      %lt3A_173 = arith.constant 8 : i32
      %lt3A_174 = vector.broadcast %lt3A_173 : i32 to vector<16xi32>
      %lt3A_175 = arith.cmpi slt, %iota3A, %lt3A_174 : vector<16xi32>
      %and3A_176 = arith.andi %ge3A_172, %lt3A_175 : vector<16xi1>
      %sub3A_177 = arith.constant 0 : i32
      %sub3A_178 = vector.broadcast %sub3A_177 : i32 to vector<16xi32>
      %sub3A_179 = arith.subi %iota3A, %sub3A_178 : vector<16xi32>
      %gather3A = tpu.vector_load_idx %arg10[%sub3A_179, %get3A_65] masked %and3A_176 : memref<8x4096xf32, #tpu.memory_space<vmem>>[vector<16xi32>, vector<16xi32>], vector<16xf32>, vector<16xi1>
      %select_n3A_180 = arith.select %and3A_176, %gather3A, %broadcast_in_dim3A_62 : vector<16xi1>, vector<16xf32>
      %mul3A_181 = arith.constant 2 : i32
      %mul3A_182 = arith.muli %mul3A_181, %scan3A_59 : i32
      %add3A_183 = arith.constant 1 : i32
      %add3A_184 = arith.addi %mul3A_182, %add3A_183 : i32
      %add3A_185 = arith.constant 2 : i32
      %add3A_186 = arith.addi %add3A_184, %add3A_185 : i32
      %sub3A_187 = arith.constant 1 : i32
      %sub3A_188 = arith.subi %add3A_186, %sub3A_187 : i32
      %lt3A_189 = arith.constant 64 : i32
      %lt3A_190 = arith.cmpi slt, %sub3A_188, %lt3A_189 : i32
      %convert_element_type3A_191 = arith.extui %lt3A_190 : i1 to i32
      %cond3A_192 = arith.constant 0 : i32
      %cond3A_193 = arith.cmpi ne, %convert_element_type3A_191, %cond3A_192 : i32
      scf.if %cond3A_193 {
        %ge3A_308 = arith.constant 1 : i32
        %ge3A_309 = arith.cmpi sge, %add3A_184, %ge3A_308 : i32
        %convert_element_type3A_310 = arith.extui %ge3A_309 : i1 to i32
        %cond3A_311 = arith.constant 0 : i32
        %cond3A_312 = arith.cmpi ne, %convert_element_type3A_310, %cond3A_311 : i32
        scf.if %cond3A_312 {
          %sub3A_323 = arith.constant 1 : i32
          %sub3A_324 = arith.subi %add3A_184, %sub3A_323 : i32
          %mul3A_325 = arith.constant 8 : i32
          %mul3A_326 = arith.muli %sub3A_324, %mul3A_325 : i32
          %add3A_327 = arith.addi %mul3A_34, %mul3A_326 : i32
          %dma_wait3A_328 = arith.constant 0 : i32
          %dma_wait3A_329 = tpu.memref_slice %arg5[%select_n3A, %add3A_327, %dma_wait3A_328] : memref<8x2048x4096xf32, #tpu.memory_space<hbm>> -> memref<1x8x4096xf32, #tpu.memory_space<hbm>>
          %dma_wait3A_330 = tpu.memref_squeeze %dma_wait3A_329 : memref<1x8x4096xf32, #tpu.memory_space<hbm>> -> memref<8x4096xf32, #tpu.memory_space<hbm>>
          %dma_wait3A_331 = arith.constant 0 : i32
          %dma_wait3A_332 = tpu.memref_slice %arg5[%select_n3A, %add3A_327, %dma_wait3A_331] : memref<8x2048x4096xf32, #tpu.memory_space<hbm>> -> memref<1x8x4096xf32, #tpu.memory_space<hbm>>
          %dma_wait3A_333 = tpu.memref_squeeze %dma_wait3A_332 : memref<1x8x4096xf32, #tpu.memory_space<hbm>> -> memref<8x4096xf32, #tpu.memory_space<hbm>>
          tpu.wait_dma2 semaphore(%arg16 : memref<!tpu.dma_semaphore, #tpu.memory_space<semaphore_mem>>) src(%arg10 : memref<8x4096xf32, #tpu.memory_space<vmem>>) dst(%dma_wait3A_333 : memref<8x4096xf32, #tpu.memory_space<hbm>>)
        } else {
        }
        %add3A_313 = arith.constant 2 : i32
        %add3A_314 = arith.addi %add3A_184, %add3A_313 : i32
        %sub3A_315 = arith.constant 1 : i32
        %sub3A_316 = arith.subi %add3A_314, %sub3A_315 : i32
        %mul3A_317 = arith.constant 8 : i32
        %mul3A_318 = arith.muli %sub3A_316, %mul3A_317 : i32
        %dma_start3A_319 = tpu.memref_slice %arg8[%mul3A_318] : memref<512xi32, #tpu.memory_space<vmem>> -> memref<8xi32, #tpu.memory_space<vmem>>
        %dma_start3A_320 = arith.constant 0 : i32
        %dma_start3A_321 = arith.constant 0 : i32
        %dma_start3A_322 = tpu.memref_slice %arg4[%dma_start3A_320, %dma_start3A_321] : memref<4096x4096xf32, #tpu.memory_space<hbm>> -> memref<4096x4096xf32, #tpu.memory_space<hbm>>
        tpu.enqueue_indirect_dma source(%dma_start3A_322 : memref<4096x4096xf32, #tpu.memory_space<hbm>>) target(%arg10 : memref<8x4096xf32, #tpu.memory_space<vmem>>) offsets(%dma_start3A_319 : memref<8xi32, #tpu.memory_space<vmem>>) semaphore(%arg14 : memref<!tpu.dma_semaphore, #tpu.memory_space<semaphore_mem>>)
      } else {
      }
      %mul3A_194 = arith.constant 8 : i32
      %mul3A_195 = arith.muli %add3A_184, %mul3A_194 : i32
      %dma_wait3A_196 = tpu.memref_slice %arg8[%mul3A_195] : memref<512xi32, #tpu.memory_space<vmem>> -> memref<8xi32, #tpu.memory_space<vmem>>
      %dma_wait3A_197 = arith.constant 0 : i32
      %dma_wait3A_198 = arith.constant 0 : i32
      %dma_wait3A_199 = tpu.memref_slice %arg4[%dma_wait3A_197, %dma_wait3A_198] : memref<4096x4096xf32, #tpu.memory_space<hbm>> -> memref<4096x4096xf32, #tpu.memory_space<hbm>>
      tpu.wait_indirect_dma semaphore(%arg15 : memref<!tpu.dma_semaphore, #tpu.memory_space<semaphore_mem>>) src(%dma_wait3A_199 : memref<4096x4096xf32, #tpu.memory_space<hbm>>) dst(%arg11 : memref<8x4096xf32, #tpu.memory_space<vmem>>)
      %mul3A_200 = arith.constant 8 : i32
      %mul3A_201 = arith.muli %add3A_184, %mul3A_200 : i32
      %add3A_202 = arith.addi %mul3A_34, %mul3A_201 : i32
      %dma_start3A_203 = arith.constant 0 : i32
      %dma_start3A_204 = tpu.memref_slice %arg5[%select_n3A, %add3A_202, %dma_start3A_203] : memref<8x2048x4096xf32, #tpu.memory_space<hbm>> -> memref<1x8x4096xf32, #tpu.memory_space<hbm>>
      %dma_start3A_205 = tpu.memref_squeeze %dma_start3A_204 : memref<1x8x4096xf32, #tpu.memory_space<hbm>> -> memref<8x4096xf32, #tpu.memory_space<hbm>>
      %dma_start3A_206 = arith.constant 0 : i32
      %dma_start3A_207 = tpu.memref_slice %arg5[%select_n3A, %add3A_202, %dma_start3A_206] : memref<8x2048x4096xf32, #tpu.memory_space<hbm>> -> memref<1x8x4096xf32, #tpu.memory_space<hbm>>
      %dma_start3A_208 = tpu.memref_squeeze %dma_start3A_207 : memref<1x8x4096xf32, #tpu.memory_space<hbm>> -> memref<8x4096xf32, #tpu.memory_space<hbm>>
      tpu.enqueue_dma source(%arg11 : memref<8x4096xf32, #tpu.memory_space<vmem>>) target(%dma_start3A_208 : memref<8x4096xf32, #tpu.memory_space<hbm>>) target_semaphore(%arg17 : memref<!tpu.dma_semaphore, #tpu.memory_space<semaphore_mem>>)
      %broadcast_in_dim3A_209 = arith.constant 0.000000e+00 : f32
      %broadcast_in_dim3A_210 = vector.broadcast %broadcast_in_dim3A_209 : f32 to vector<16xf32>
      %scan3A_211 = arith.constant 0 : i32
      %scan3A_212 = arith.constant 32 : i32
      %scan3A_213 = arith.addi %scan3A_211, %scan3A_212 : i32
      %scan3A_214 = arith.constant 1 : i32
      %scan3A_215:8 = scf.for %scan3A_308 = %scan3A_211 to %scan3A_213 step %scan3A_214 iter_args(%scan3A_309 = %broadcast_in_dim3A_210, %scan3A_310 = %broadcast_in_dim3A_210, %scan3A_311 = %broadcast_in_dim3A_210, %scan3A_312 = %broadcast_in_dim3A_210, %scan3A_313 = %broadcast_in_dim3A_210, %scan3A_314 = %broadcast_in_dim3A_210, %scan3A_315 = %broadcast_in_dim3A_210, %scan3A_316 = %broadcast_in_dim3A_210) -> (vector<16xf32>, vector<16xf32>, vector<16xf32>, vector<16xf32>, vector<16xf32>, vector<16xf32>, vector<16xf32>, vector<16xf32>)  : i32 {
        %mul3A_317 = arith.constant 128 : i32
        %mul3A_318 = arith.muli %scan3A_308, %mul3A_317 : i32
        %add3A_319 = arith.constant 0 : i32
        %add3A_320 = arith.addi %mul3A_318, %add3A_319 : i32
        %get3A_321 = arith.constant 0 : i32
        %get3A_322 = arith.index_cast %get3A_321 : i32 to index
        %get3A_323 = arith.index_cast %add3A_320 : i32 to index
        %get3A_324 = tpu.vector_load %arg11[%get3A_322, %get3A_323] {strides = array<i32>} : memref<8x4096xf32, #tpu.memory_space<vmem>>, vector<16xf32>,
        %exp3A = math.exp %get3A_324 : vector<16xf32>
        %add3A_325 = arith.addf %scan3A_309, %exp3A : vector<16xf32>
        %add3A_326 = arith.constant 16 : i32
        %add3A_327 = arith.addi %mul3A_318, %add3A_326 : i32
        %get3A_328 = arith.constant 0 : i32
        %get3A_329 = arith.index_cast %get3A_328 : i32 to index
        %get3A_330 = arith.index_cast %add3A_327 : i32 to index
        %get3A_331 = tpu.vector_load %arg11[%get3A_329, %get3A_330] {strides = array<i32>} : memref<8x4096xf32, #tpu.memory_space<vmem>>, vector<16xf32>,
        %exp3A_332 = math.exp %get3A_331 : vector<16xf32>
        %add3A_333 = arith.addf %add3A_325, %exp3A_332 : vector<16xf32>
        %add3A_334 = arith.constant 32 : i32
        %add3A_335 = arith.addi %mul3A_318, %add3A_334 : i32
        %get3A_336 = arith.constant 0 : i32
        %get3A_337 = arith.index_cast %get3A_336 : i32 to index
        %get3A_338 = arith.index_cast %add3A_335 : i32 to index
        %get3A_339 = tpu.vector_load %arg11[%get3A_337, %get3A_338] {strides = array<i32>} : memref<8x4096xf32, #tpu.memory_space<vmem>>, vector<16xf32>,
        %exp3A_340 = math.exp %get3A_339 : vector<16xf32>
        %add3A_341 = arith.addf %add3A_333, %exp3A_340 : vector<16xf32>
        %add3A_342 = arith.constant 48 : i32
        %add3A_343 = arith.addi %mul3A_318, %add3A_342 : i32
        %get3A_344 = arith.constant 0 : i32
        %get3A_345 = arith.index_cast %get3A_344 : i32 to index
        %get3A_346 = arith.index_cast %add3A_343 : i32 to index
        %get3A_347 = tpu.vector_load %arg11[%get3A_345, %get3A_346] {strides = array<i32>} : memref<8x4096xf32, #tpu.memory_space<vmem>>, vector<16xf32>,
        %exp3A_348 = math.exp %get3A_347 : vector<16xf32>
        %add3A_349 = arith.addf %add3A_341, %exp3A_348 : vector<16xf32>
        %add3A_350 = arith.constant 64 : i32
        %add3A_351 = arith.addi %mul3A_318, %add3A_350 : i32
        %get3A_352 = arith.constant 0 : i32
        %get3A_353 = arith.index_cast %get3A_352 : i32 to index
        %get3A_354 = arith.index_cast %add3A_351 : i32 to index
        %get3A_355 = tpu.vector_load %arg11[%get3A_353, %get3A_354] {strides = array<i32>} : memref<8x4096xf32, #tpu.memory_space<vmem>>, vector<16xf32>,
        %exp3A_356 = math.exp %get3A_355 : vector<16xf32>
        %add3A_357 = arith.addf %add3A_349, %exp3A_356 : vector<16xf32>
        %add3A_358 = arith.constant 80 : i32
        %add3A_359 = arith.addi %mul3A_318, %add3A_358 : i32
        %get3A_360 = arith.constant 0 : i32
        %get3A_361 = arith.index_cast %get3A_360 : i32 to index
        %get3A_362 = arith.index_cast %add3A_359 : i32 to index
        %get3A_363 = tpu.vector_load %arg11[%get3A_361, %get3A_362] {strides = array<i32>} : memref<8x4096xf32, #tpu.memory_space<vmem>>, vector<16xf32>,
        %exp3A_364 = math.exp %get3A_363 : vector<16xf32>
        %add3A_365 = arith.addf %add3A_357, %exp3A_364 : vector<16xf32>
        %add3A_366 = arith.constant 96 : i32
        %add3A_367 = arith.addi %mul3A_318, %add3A_366 : i32
        %get3A_368 = arith.constant 0 : i32
        %get3A_369 = arith.index_cast %get3A_368 : i32 to index
        %get3A_370 = arith.index_cast %add3A_367 : i32 to index
        %get3A_371 = tpu.vector_load %arg11[%get3A_369, %get3A_370] {strides = array<i32>} : memref<8x4096xf32, #tpu.memory_space<vmem>>, vector<16xf32>,
        %exp3A_372 = math.exp %get3A_371 : vector<16xf32>
        %add3A_373 = arith.addf %add3A_365, %exp3A_372 : vector<16xf32>
        %add3A_374 = arith.constant 112 : i32
        %add3A_375 = arith.addi %mul3A_318, %add3A_374 : i32
        %get3A_376 = arith.constant 0 : i32
        %get3A_377 = arith.index_cast %get3A_376 : i32 to index
        %get3A_378 = arith.index_cast %add3A_375 : i32 to index
        %get3A_379 = tpu.vector_load %arg11[%get3A_377, %get3A_378] {strides = array<i32>} : memref<8x4096xf32, #tpu.memory_space<vmem>>, vector<16xf32>,
        %exp3A_380 = math.exp %get3A_379 : vector<16xf32>
        %add3A_381 = arith.addf %add3A_373, %exp3A_380 : vector<16xf32>
        %add3A_382 = arith.constant 0 : i32
        %add3A_383 = arith.addi %mul3A_318, %add3A_382 : i32
        %get3A_384 = arith.constant 1 : i32
        %get3A_385 = arith.index_cast %get3A_384 : i32 to index
        %get3A_386 = arith.index_cast %add3A_383 : i32 to index
        %get3A_387 = tpu.vector_load %arg11[%get3A_385, %get3A_386] {strides = array<i32>} : memref<8x4096xf32, #tpu.memory_space<vmem>>, vector<16xf32>,
        %exp3A_388 = math.exp %get3A_387 : vector<16xf32>
        %add3A_389 = arith.addf %scan3A_310, %exp3A_388 : vector<16xf32>
        %add3A_390 = arith.constant 16 : i32
        %add3A_391 = arith.addi %mul3A_318, %add3A_390 : i32
        %get3A_392 = arith.constant 1 : i32
        %get3A_393 = arith.index_cast %get3A_392 : i32 to index
        %get3A_394 = arith.index_cast %add3A_391 : i32 to index
        %get3A_395 = tpu.vector_load %arg11[%get3A_393, %get3A_394] {strides = array<i32>} : memref<8x4096xf32, #tpu.memory_space<vmem>>, vector<16xf32>,
        %exp3A_396 = math.exp %get3A_395 : vector<16xf32>
        %add3A_397 = arith.addf %add3A_389, %exp3A_396 : vector<16xf32>
        %add3A_398 = arith.constant 32 : i32
        %add3A_399 = arith.addi %mul3A_318, %add3A_398 : i32
        %get3A_400 = arith.constant 1 : i32
        %get3A_401 = arith.index_cast %get3A_400 : i32 to index
        %get3A_402 = arith.index_cast %add3A_399 : i32 to index
        %get3A_403 = tpu.vector_load %arg11[%get3A_401, %get3A_402] {strides = array<i32>} : memref<8x4096xf32, #tpu.memory_space<vmem>>, vector<16xf32>,
        %exp3A_404 = math.exp %get3A_403 : vector<16xf32>
        %add3A_405 = arith.addf %add3A_397, %exp3A_404 : vector<16xf32>
        %add3A_406 = arith.constant 48 : i32
        %add3A_407 = arith.addi %mul3A_318, %add3A_406 : i32
        %get3A_408 = arith.constant 1 : i32
        %get3A_409 = arith.index_cast %get3A_408 : i32 to index
        %get3A_410 = arith.index_cast %add3A_407 : i32 to index
        %get3A_411 = tpu.vector_load %arg11[%get3A_409, %get3A_410] {strides = array<i32>} : memref<8x4096xf32, #tpu.memory_space<vmem>>, vector<16xf32>,
        %exp3A_412 = math.exp %get3A_411 : vector<16xf32>
        %add3A_413 = arith.addf %add3A_405, %exp3A_412 : vector<16xf32>
        %add3A_414 = arith.constant 64 : i32
        %add3A_415 = arith.addi %mul3A_318, %add3A_414 : i32
        %get3A_416 = arith.constant 1 : i32
        %get3A_417 = arith.index_cast %get3A_416 : i32 to index
        %get3A_418 = arith.index_cast %add3A_415 : i32 to index
        %get3A_419 = tpu.vector_load %arg11[%get3A_417, %get3A_418] {strides = array<i32>} : memref<8x4096xf32, #tpu.memory_space<vmem>>, vector<16xf32>,
        %exp3A_420 = math.exp %get3A_419 : vector<16xf32>
        %add3A_421 = arith.addf %add3A_413, %exp3A_420 : vector<16xf32>
        %add3A_422 = arith.constant 80 : i32
        %add3A_423 = arith.addi %mul3A_318, %add3A_422 : i32
        %get3A_424 = arith.constant 1 : i32
        %get3A_425 = arith.index_cast %get3A_424 : i32 to index
        %get3A_426 = arith.index_cast %add3A_423 : i32 to index
        %get3A_427 = tpu.vector_load %arg11[%get3A_425, %get3A_426] {strides = array<i32>} : memref<8x4096xf32, #tpu.memory_space<vmem>>, vector<16xf32>,
        %exp3A_428 = math.exp %get3A_427 : vector<16xf32>
        %add3A_429 = arith.addf %add3A_421, %exp3A_428 : vector<16xf32>
        %add3A_430 = arith.constant 96 : i32
        %add3A_431 = arith.addi %mul3A_318, %add3A_430 : i32
        %get3A_432 = arith.constant 1 : i32
        %get3A_433 = arith.index_cast %get3A_432 : i32 to index
        %get3A_434 = arith.index_cast %add3A_431 : i32 to index
        %get3A_435 = tpu.vector_load %arg11[%get3A_433, %get3A_434] {strides = array<i32>} : memref<8x4096xf32, #tpu.memory_space<vmem>>, vector<16xf32>,
        %exp3A_436 = math.exp %get3A_435 : vector<16xf32>
        %add3A_437 = arith.addf %add3A_429, %exp3A_436 : vector<16xf32>
        %add3A_438 = arith.constant 112 : i32
        %add3A_439 = arith.addi %mul3A_318, %add3A_438 : i32
        %get3A_440 = arith.constant 1 : i32
        %get3A_441 = arith.index_cast %get3A_440 : i32 to index
        %get3A_442 = arith.index_cast %add3A_439 : i32 to index
        %get3A_443 = tpu.vector_load %arg11[%get3A_441, %get3A_442] {strides = array<i32>} : memref<8x4096xf32, #tpu.memory_space<vmem>>, vector<16xf32>,
        %exp3A_444 = math.exp %get3A_443 : vector<16xf32>
        %add3A_445 = arith.addf %add3A_437, %exp3A_444 : vector<16xf32>
        %add3A_446 = arith.constant 0 : i32
        %add3A_447 = arith.addi %mul3A_318, %add3A_446 : i32
        %get3A_448 = arith.constant 2 : i32
        %get3A_449 = arith.index_cast %get3A_448 : i32 to index
        %get3A_450 = arith.index_cast %add3A_447 : i32 to index
        %get3A_451 = tpu.vector_load %arg11[%get3A_449, %get3A_450] {strides = array<i32>} : memref<8x4096xf32, #tpu.memory_space<vmem>>, vector<16xf32>,
        %exp3A_452 = math.exp %get3A_451 : vector<16xf32>
        %add3A_453 = arith.addf %scan3A_311, %exp3A_452 : vector<16xf32>
        %add3A_454 = arith.constant 16 : i32
        %add3A_455 = arith.addi %mul3A_318, %add3A_454 : i32
        %get3A_456 = arith.constant 2 : i32
        %get3A_457 = arith.index_cast %get3A_456 : i32 to index
        %get3A_458 = arith.index_cast %add3A_455 : i32 to index
        %get3A_459 = tpu.vector_load %arg11[%get3A_457, %get3A_458] {strides = array<i32>} : memref<8x4096xf32, #tpu.memory_space<vmem>>, vector<16xf32>,
        %exp3A_460 = math.exp %get3A_459 : vector<16xf32>
        %add3A_461 = arith.addf %add3A_453, %exp3A_460 : vector<16xf32>
        %add3A_462 = arith.constant 32 : i32
        %add3A_463 = arith.addi %mul3A_318, %add3A_462 : i32
        %get3A_464 = arith.constant 2 : i32
        %get3A_465 = arith.index_cast %get3A_464 : i32 to index
        %get3A_466 = arith.index_cast %add3A_463 : i32 to index
        %get3A_467 = tpu.vector_load %arg11[%get3A_465, %get3A_466] {strides = array<i32>} : memref<8x4096xf32, #tpu.memory_space<vmem>>, vector<16xf32>,
        %exp3A_468 = math.exp %get3A_467 : vector<16xf32>
        %add3A_469 = arith.addf %add3A_461, %exp3A_468 : vector<16xf32>
        %add3A_470 = arith.constant 48 : i32
        %add3A_471 = arith.addi %mul3A_318, %add3A_470 : i32
        %get3A_472 = arith.constant 2 : i32
        %get3A_473 = arith.index_cast %get3A_472 : i32 to index
        %get3A_474 = arith.index_cast %add3A_471 : i32 to index
        %get3A_475 = tpu.vector_load %arg11[%get3A_473, %get3A_474] {strides = array<i32>} : memref<8x4096xf32, #tpu.memory_space<vmem>>, vector<16xf32>,
        %exp3A_476 = math.exp %get3A_475 : vector<16xf32>
        %add3A_477 = arith.addf %add3A_469, %exp3A_476 : vector<16xf32>
        %add3A_478 = arith.constant 64 : i32
        %add3A_479 = arith.addi %mul3A_318, %add3A_478 : i32
        %get3A_480 = arith.constant 2 : i32
        %get3A_481 = arith.index_cast %get3A_480 : i32 to index
        %get3A_482 = arith.index_cast %add3A_479 : i32 to index
        %get3A_483 = tpu.vector_load %arg11[%get3A_481, %get3A_482] {strides = array<i32>} : memref<8x4096xf32, #tpu.memory_space<vmem>>, vector<16xf32>,
        %exp3A_484 = math.exp %get3A_483 : vector<16xf32>
        %add3A_485 = arith.addf %add3A_477, %exp3A_484 : vector<16xf32>
        %add3A_486 = arith.constant 80 : i32
        %add3A_487 = arith.addi %mul3A_318, %add3A_486 : i32
        %get3A_488 = arith.constant 2 : i32
        %get3A_489 = arith.index_cast %get3A_488 : i32 to index
        %get3A_490 = arith.index_cast %add3A_487 : i32 to index
        %get3A_491 = tpu.vector_load %arg11[%get3A_489, %get3A_490] {strides = array<i32>} : memref<8x4096xf32, #tpu.memory_space<vmem>>, vector<16xf32>,
        %exp3A_492 = math.exp %get3A_491 : vector<16xf32>
        %add3A_493 = arith.addf %add3A_485, %exp3A_492 : vector<16xf32>
        %add3A_494 = arith.constant 96 : i32
        %add3A_495 = arith.addi %mul3A_318, %add3A_494 : i32
        %get3A_496 = arith.constant 2 : i32
        %get3A_497 = arith.index_cast %get3A_496 : i32 to index
        %get3A_498 = arith.index_cast %add3A_495 : i32 to index
        %get3A_499 = tpu.vector_load %arg11[%get3A_497, %get3A_498] {strides = array<i32>} : memref<8x4096xf32, #tpu.memory_space<vmem>>, vector<16xf32>,
        %exp3A_500 = math.exp %get3A_499 : vector<16xf32>
        %add3A_501 = arith.addf %add3A_493, %exp3A_500 : vector<16xf32>
        %add3A_502 = arith.constant 112 : i32
        %add3A_503 = arith.addi %mul3A_318, %add3A_502 : i32
        %get3A_504 = arith.constant 2 : i32
        %get3A_505 = arith.index_cast %get3A_504 : i32 to index
        %get3A_506 = arith.index_cast %add3A_503 : i32 to index
        %get3A_507 = tpu.vector_load %arg11[%get3A_505, %get3A_506] {strides = array<i32>} : memref<8x4096xf32, #tpu.memory_space<vmem>>, vector<16xf32>,
        %exp3A_508 = math.exp %get3A_507 : vector<16xf32>
        %add3A_509 = arith.addf %add3A_501, %exp3A_508 : vector<16xf32>
        %add3A_510 = arith.constant 0 : i32
        %add3A_511 = arith.addi %mul3A_318, %add3A_510 : i32
        %get3A_512 = arith.constant 3 : i32
        %get3A_513 = arith.index_cast %get3A_512 : i32 to index
        %get3A_514 = arith.index_cast %add3A_511 : i32 to index
        %get3A_515 = tpu.vector_load %arg11[%get3A_513, %get3A_514] {strides = array<i32>} : memref<8x4096xf32, #tpu.memory_space<vmem>>, vector<16xf32>,
        %exp3A_516 = math.exp %get3A_515 : vector<16xf32>
        %add3A_517 = arith.addf %scan3A_312, %exp3A_516 : vector<16xf32>
        %add3A_518 = arith.constant 16 : i32
        %add3A_519 = arith.addi %mul3A_318, %add3A_518 : i32
        %get3A_520 = arith.constant 3 : i32
        %get3A_521 = arith.index_cast %get3A_520 : i32 to index
        %get3A_522 = arith.index_cast %add3A_519 : i32 to index
        %get3A_523 = tpu.vector_load %arg11[%get3A_521, %get3A_522] {strides = array<i32>} : memref<8x4096xf32, #tpu.memory_space<vmem>>, vector<16xf32>,
        %exp3A_524 = math.exp %get3A_523 : vector<16xf32>
        %add3A_525 = arith.addf %add3A_517, %exp3A_524 : vector<16xf32>
        %add3A_526 = arith.constant 32 : i32
        %add3A_527 = arith.addi %mul3A_318, %add3A_526 : i32
        %get3A_528 = arith.constant 3 : i32
        %get3A_529 = arith.index_cast %get3A_528 : i32 to index
        %get3A_530 = arith.index_cast %add3A_527 : i32 to index
        %get3A_531 = tpu.vector_load %arg11[%get3A_529, %get3A_530] {strides = array<i32>} : memref<8x4096xf32, #tpu.memory_space<vmem>>, vector<16xf32>,
        %exp3A_532 = math.exp %get3A_531 : vector<16xf32>
        %add3A_533 = arith.addf %add3A_525, %exp3A_532 : vector<16xf32>
        %add3A_534 = arith.constant 48 : i32
        %add3A_535 = arith.addi %mul3A_318, %add3A_534 : i32
        %get3A_536 = arith.constant 3 : i32
        %get3A_537 = arith.index_cast %get3A_536 : i32 to index
        %get3A_538 = arith.index_cast %add3A_535 : i32 to index
        %get3A_539 = tpu.vector_load %arg11[%get3A_537, %get3A_538] {strides = array<i32>} : memref<8x4096xf32, #tpu.memory_space<vmem>>, vector<16xf32>,
        %exp3A_540 = math.exp %get3A_539 : vector<16xf32>
        %add3A_541 = arith.addf %add3A_533, %exp3A_540 : vector<16xf32>
        %add3A_542 = arith.constant 64 : i32
        %add3A_543 = arith.addi %mul3A_318, %add3A_542 : i32
        %get3A_544 = arith.constant 3 : i32
        %get3A_545 = arith.index_cast %get3A_544 : i32 to index
        %get3A_546 = arith.index_cast %add3A_543 : i32 to index
        %get3A_547 = tpu.vector_load %arg11[%get3A_545, %get3A_546] {strides = array<i32>} : memref<8x4096xf32, #tpu.memory_space<vmem>>, vector<16xf32>,
        %exp3A_548 = math.exp %get3A_547 : vector<16xf32>
        %add3A_549 = arith.addf %add3A_541, %exp3A_548 : vector<16xf32>
        %add3A_550 = arith.constant 80 : i32
        %add3A_551 = arith.addi %mul3A_318, %add3A_550 : i32
        %get3A_552 = arith.constant 3 : i32
        %get3A_553 = arith.index_cast %get3A_552 : i32 to index
        %get3A_554 = arith.index_cast %add3A_551 : i32 to index
        %get3A_555 = tpu.vector_load %arg11[%get3A_553, %get3A_554] {strides = array<i32>} : memref<8x4096xf32, #tpu.memory_space<vmem>>, vector<16xf32>,
        %exp3A_556 = math.exp %get3A_555 : vector<16xf32>
        %add3A_557 = arith.addf %add3A_549, %exp3A_556 : vector<16xf32>
        %add3A_558 = arith.constant 96 : i32
        %add3A_559 = arith.addi %mul3A_318, %add3A_558 : i32
        %get3A_560 = arith.constant 3 : i32
        %get3A_561 = arith.index_cast %get3A_560 : i32 to index
        %get3A_562 = arith.index_cast %add3A_559 : i32 to index
        %get3A_563 = tpu.vector_load %arg11[%get3A_561, %get3A_562] {strides = array<i32>} : memref<8x4096xf32, #tpu.memory_space<vmem>>, vector<16xf32>,
        %exp3A_564 = math.exp %get3A_563 : vector<16xf32>
        %add3A_565 = arith.addf %add3A_557, %exp3A_564 : vector<16xf32>
        %add3A_566 = arith.constant 112 : i32
        %add3A_567 = arith.addi %mul3A_318, %add3A_566 : i32
        %get3A_568 = arith.constant 3 : i32
        %get3A_569 = arith.index_cast %get3A_568 : i32 to index
        %get3A_570 = arith.index_cast %add3A_567 : i32 to index
        %get3A_571 = tpu.vector_load %arg11[%get3A_569, %get3A_570] {strides = array<i32>} : memref<8x4096xf32, #tpu.memory_space<vmem>>, vector<16xf32>,
        %exp3A_572 = math.exp %get3A_571 : vector<16xf32>
        %add3A_573 = arith.addf %add3A_565, %exp3A_572 : vector<16xf32>
        %add3A_574 = arith.constant 0 : i32
        %add3A_575 = arith.addi %mul3A_318, %add3A_574 : i32
        %get3A_576 = arith.constant 4 : i32
        %get3A_577 = arith.index_cast %get3A_576 : i32 to index
        %get3A_578 = arith.index_cast %add3A_575 : i32 to index
        %get3A_579 = tpu.vector_load %arg11[%get3A_577, %get3A_578] {strides = array<i32>} : memref<8x4096xf32, #tpu.memory_space<vmem>>, vector<16xf32>,
        %exp3A_580 = math.exp %get3A_579 : vector<16xf32>
        %add3A_581 = arith.addf %scan3A_313, %exp3A_580 : vector<16xf32>
        %add3A_582 = arith.constant 16 : i32
        %add3A_583 = arith.addi %mul3A_318, %add3A_582 : i32
        %get3A_584 = arith.constant 4 : i32
        %get3A_585 = arith.index_cast %get3A_584 : i32 to index
        %get3A_586 = arith.index_cast %add3A_583 : i32 to index
        %get3A_587 = tpu.vector_load %arg11[%get3A_585, %get3A_586] {strides = array<i32>} : memref<8x4096xf32, #tpu.memory_space<vmem>>, vector<16xf32>,
        %exp3A_588 = math.exp %get3A_587 : vector<16xf32>
        %add3A_589 = arith.addf %add3A_581, %exp3A_588 : vector<16xf32>
        %add3A_590 = arith.constant 32 : i32
        %add3A_591 = arith.addi %mul3A_318, %add3A_590 : i32
        %get3A_592 = arith.constant 4 : i32
        %get3A_593 = arith.index_cast %get3A_592 : i32 to index
        %get3A_594 = arith.index_cast %add3A_591 : i32 to index
        %get3A_595 = tpu.vector_load %arg11[%get3A_593, %get3A_594] {strides = array<i32>} : memref<8x4096xf32, #tpu.memory_space<vmem>>, vector<16xf32>,
        %exp3A_596 = math.exp %get3A_595 : vector<16xf32>
        %add3A_597 = arith.addf %add3A_589, %exp3A_596 : vector<16xf32>
        %add3A_598 = arith.constant 48 : i32
        %add3A_599 = arith.addi %mul3A_318, %add3A_598 : i32
        %get3A_600 = arith.constant 4 : i32
        %get3A_601 = arith.index_cast %get3A_600 : i32 to index
        %get3A_602 = arith.index_cast %add3A_599 : i32 to index
        %get3A_603 = tpu.vector_load %arg11[%get3A_601, %get3A_602] {strides = array<i32>} : memref<8x4096xf32, #tpu.memory_space<vmem>>, vector<16xf32>,
        %exp3A_604 = math.exp %get3A_603 : vector<16xf32>
        %add3A_605 = arith.addf %add3A_597, %exp3A_604 : vector<16xf32>
        %add3A_606 = arith.constant 64 : i32
        %add3A_607 = arith.addi %mul3A_318, %add3A_606 : i32
        %get3A_608 = arith.constant 4 : i32
        %get3A_609 = arith.index_cast %get3A_608 : i32 to index
        %get3A_610 = arith.index_cast %add3A_607 : i32 to index
        %get3A_611 = tpu.vector_load %arg11[%get3A_609, %get3A_610] {strides = array<i32>} : memref<8x4096xf32, #tpu.memory_space<vmem>>, vector<16xf32>,
        %exp3A_612 = math.exp %get3A_611 : vector<16xf32>
        %add3A_613 = arith.addf %add3A_605, %exp3A_612 : vector<16xf32>
        %add3A_614 = arith.constant 80 : i32
        %add3A_615 = arith.addi %mul3A_318, %add3A_614 : i32
        %get3A_616 = arith.constant 4 : i32
        %get3A_617 = arith.index_cast %get3A_616 : i32 to index
        %get3A_618 = arith.index_cast %add3A_615 : i32 to index
        %get3A_619 = tpu.vector_load %arg11[%get3A_617, %get3A_618] {strides = array<i32>} : memref<8x4096xf32, #tpu.memory_space<vmem>>, vector<16xf32>,
        %exp3A_620 = math.exp %get3A_619 : vector<16xf32>
        %add3A_621 = arith.addf %add3A_613, %exp3A_620 : vector<16xf32>
        %add3A_622 = arith.constant 96 : i32
        %add3A_623 = arith.addi %mul3A_318, %add3A_622 : i32
        %get3A_624 = arith.constant 4 : i32
        %get3A_625 = arith.index_cast %get3A_624 : i32 to index
        %get3A_626 = arith.index_cast %add3A_623 : i32 to index
        %get3A_627 = tpu.vector_load %arg11[%get3A_625, %get3A_626] {strides = array<i32>} : memref<8x4096xf32, #tpu.memory_space<vmem>>, vector<16xf32>,
        %exp3A_628 = math.exp %get3A_627 : vector<16xf32>
        %add3A_629 = arith.addf %add3A_621, %exp3A_628 : vector<16xf32>
        %add3A_630 = arith.constant 112 : i32
        %add3A_631 = arith.addi %mul3A_318, %add3A_630 : i32
        %get3A_632 = arith.constant 4 : i32
        %get3A_633 = arith.index_cast %get3A_632 : i32 to index
        %get3A_634 = arith.index_cast %add3A_631 : i32 to index
        %get3A_635 = tpu.vector_load %arg11[%get3A_633, %get3A_634] {strides = array<i32>} : memref<8x4096xf32, #tpu.memory_space<vmem>>, vector<16xf32>,
        %exp3A_636 = math.exp %get3A_635 : vector<16xf32>
        %add3A_637 = arith.addf %add3A_629, %exp3A_636 : vector<16xf32>
        %add3A_638 = arith.constant 0 : i32
        %add3A_639 = arith.addi %mul3A_318, %add3A_638 : i32
        %get3A_640 = arith.constant 5 : i32
        %get3A_641 = arith.index_cast %get3A_640 : i32 to index
        %get3A_642 = arith.index_cast %add3A_639 : i32 to index
        %get3A_643 = tpu.vector_load %arg11[%get3A_641, %get3A_642] {strides = array<i32>} : memref<8x4096xf32, #tpu.memory_space<vmem>>, vector<16xf32>,
        %exp3A_644 = math.exp %get3A_643 : vector<16xf32>
        %add3A_645 = arith.addf %scan3A_314, %exp3A_644 : vector<16xf32>
        %add3A_646 = arith.constant 16 : i32
        %add3A_647 = arith.addi %mul3A_318, %add3A_646 : i32
        %get3A_648 = arith.constant 5 : i32
        %get3A_649 = arith.index_cast %get3A_648 : i32 to index
        %get3A_650 = arith.index_cast %add3A_647 : i32 to index
        %get3A_651 = tpu.vector_load %arg11[%get3A_649, %get3A_650] {strides = array<i32>} : memref<8x4096xf32, #tpu.memory_space<vmem>>, vector<16xf32>,
        %exp3A_652 = math.exp %get3A_651 : vector<16xf32>
        %add3A_653 = arith.addf %add3A_645, %exp3A_652 : vector<16xf32>
        %add3A_654 = arith.constant 32 : i32
        %add3A_655 = arith.addi %mul3A_318, %add3A_654 : i32
        %get3A_656 = arith.constant 5 : i32
        %get3A_657 = arith.index_cast %get3A_656 : i32 to index
        %get3A_658 = arith.index_cast %add3A_655 : i32 to index
        %get3A_659 = tpu.vector_load %arg11[%get3A_657, %get3A_658] {strides = array<i32>} : memref<8x4096xf32, #tpu.memory_space<vmem>>, vector<16xf32>,
        %exp3A_660 = math.exp %get3A_659 : vector<16xf32>
        %add3A_661 = arith.addf %add3A_653, %exp3A_660 : vector<16xf32>
        %add3A_662 = arith.constant 48 : i32
        %add3A_663 = arith.addi %mul3A_318, %add3A_662 : i32
        %get3A_664 = arith.constant 5 : i32
        %get3A_665 = arith.index_cast %get3A_664 : i32 to index
        %get3A_666 = arith.index_cast %add3A_663 : i32 to index
        %get3A_667 = tpu.vector_load %arg11[%get3A_665, %get3A_666] {strides = array<i32>} : memref<8x4096xf32, #tpu.memory_space<vmem>>, vector<16xf32>,
        %exp3A_668 = math.exp %get3A_667 : vector<16xf32>
        %add3A_669 = arith.addf %add3A_661, %exp3A_668 : vector<16xf32>
        %add3A_670 = arith.constant 64 : i32
        %add3A_671 = arith.addi %mul3A_318, %add3A_670 : i32
        %get3A_672 = arith.constant 5 : i32
        %get3A_673 = arith.index_cast %get3A_672 : i32 to index
        %get3A_674 = arith.index_cast %add3A_671 : i32 to index
        %get3A_675 = tpu.vector_load %arg11[%get3A_673, %get3A_674] {strides = array<i32>} : memref<8x4096xf32, #tpu.memory_space<vmem>>, vector<16xf32>,
        %exp3A_676 = math.exp %get3A_675 : vector<16xf32>
        %add3A_677 = arith.addf %add3A_669, %exp3A_676 : vector<16xf32>
        %add3A_678 = arith.constant 80 : i32
        %add3A_679 = arith.addi %mul3A_318, %add3A_678 : i32
        %get3A_680 = arith.constant 5 : i32
        %get3A_681 = arith.index_cast %get3A_680 : i32 to index
        %get3A_682 = arith.index_cast %add3A_679 : i32 to index
        %get3A_683 = tpu.vector_load %arg11[%get3A_681, %get3A_682] {strides = array<i32>} : memref<8x4096xf32, #tpu.memory_space<vmem>>, vector<16xf32>,
        %exp3A_684 = math.exp %get3A_683 : vector<16xf32>
        %add3A_685 = arith.addf %add3A_677, %exp3A_684 : vector<16xf32>
        %add3A_686 = arith.constant 96 : i32
        %add3A_687 = arith.addi %mul3A_318, %add3A_686 : i32
        %get3A_688 = arith.constant 5 : i32
        %get3A_689 = arith.index_cast %get3A_688 : i32 to index
        %get3A_690 = arith.index_cast %add3A_687 : i32 to index
        %get3A_691 = tpu.vector_load %arg11[%get3A_689, %get3A_690] {strides = array<i32>} : memref<8x4096xf32, #tpu.memory_space<vmem>>, vector<16xf32>,
        %exp3A_692 = math.exp %get3A_691 : vector<16xf32>
        %add3A_693 = arith.addf %add3A_685, %exp3A_692 : vector<16xf32>
        %add3A_694 = arith.constant 112 : i32
        %add3A_695 = arith.addi %mul3A_318, %add3A_694 : i32
        %get3A_696 = arith.constant 5 : i32
        %get3A_697 = arith.index_cast %get3A_696 : i32 to index
        %get3A_698 = arith.index_cast %add3A_695 : i32 to index
        %get3A_699 = tpu.vector_load %arg11[%get3A_697, %get3A_698] {strides = array<i32>} : memref<8x4096xf32, #tpu.memory_space<vmem>>, vector<16xf32>,
        %exp3A_700 = math.exp %get3A_699 : vector<16xf32>
        %add3A_701 = arith.addf %add3A_693, %exp3A_700 : vector<16xf32>
        %add3A_702 = arith.constant 0 : i32
        %add3A_703 = arith.addi %mul3A_318, %add3A_702 : i32
        %get3A_704 = arith.constant 6 : i32
        %get3A_705 = arith.index_cast %get3A_704 : i32 to index
        %get3A_706 = arith.index_cast %add3A_703 : i32 to index
        %get3A_707 = tpu.vector_load %arg11[%get3A_705, %get3A_706] {strides = array<i32>} : memref<8x4096xf32, #tpu.memory_space<vmem>>, vector<16xf32>,
        %exp3A_708 = math.exp %get3A_707 : vector<16xf32>
        %add3A_709 = arith.addf %scan3A_315, %exp3A_708 : vector<16xf32>
        %add3A_710 = arith.constant 16 : i32
        %add3A_711 = arith.addi %mul3A_318, %add3A_710 : i32
        %get3A_712 = arith.constant 6 : i32
        %get3A_713 = arith.index_cast %get3A_712 : i32 to index
        %get3A_714 = arith.index_cast %add3A_711 : i32 to index
        %get3A_715 = tpu.vector_load %arg11[%get3A_713, %get3A_714] {strides = array<i32>} : memref<8x4096xf32, #tpu.memory_space<vmem>>, vector<16xf32>,
        %exp3A_716 = math.exp %get3A_715 : vector<16xf32>
        %add3A_717 = arith.addf %add3A_709, %exp3A_716 : vector<16xf32>
        %add3A_718 = arith.constant 32 : i32
        %add3A_719 = arith.addi %mul3A_318, %add3A_718 : i32
        %get3A_720 = arith.constant 6 : i32
        %get3A_721 = arith.index_cast %get3A_720 : i32 to index
        %get3A_722 = arith.index_cast %add3A_719 : i32 to index
        %get3A_723 = tpu.vector_load %arg11[%get3A_721, %get3A_722] {strides = array<i32>} : memref<8x4096xf32, #tpu.memory_space<vmem>>, vector<16xf32>,
        %exp3A_724 = math.exp %get3A_723 : vector<16xf32>
        %add3A_725 = arith.addf %add3A_717, %exp3A_724 : vector<16xf32>
        %add3A_726 = arith.constant 48 : i32
        %add3A_727 = arith.addi %mul3A_318, %add3A_726 : i32
        %get3A_728 = arith.constant 6 : i32
        %get3A_729 = arith.index_cast %get3A_728 : i32 to index
        %get3A_730 = arith.index_cast %add3A_727 : i32 to index
        %get3A_731 = tpu.vector_load %arg11[%get3A_729, %get3A_730] {strides = array<i32>} : memref<8x4096xf32, #tpu.memory_space<vmem>>, vector<16xf32>,
        %exp3A_732 = math.exp %get3A_731 : vector<16xf32>
        %add3A_733 = arith.addf %add3A_725, %exp3A_732 : vector<16xf32>
        %add3A_734 = arith.constant 64 : i32
        %add3A_735 = arith.addi %mul3A_318, %add3A_734 : i32
        %get3A_736 = arith.constant 6 : i32
        %get3A_737 = arith.index_cast %get3A_736 : i32 to index
        %get3A_738 = arith.index_cast %add3A_735 : i32 to index
        %get3A_739 = tpu.vector_load %arg11[%get3A_737, %get3A_738] {strides = array<i32>} : memref<8x4096xf32, #tpu.memory_space<vmem>>, vector<16xf32>,
        %exp3A_740 = math.exp %get3A_739 : vector<16xf32>
        %add3A_741 = arith.addf %add3A_733, %exp3A_740 : vector<16xf32>
        %add3A_742 = arith.constant 80 : i32
        %add3A_743 = arith.addi %mul3A_318, %add3A_742 : i32
        %get3A_744 = arith.constant 6 : i32
        %get3A_745 = arith.index_cast %get3A_744 : i32 to index
        %get3A_746 = arith.index_cast %add3A_743 : i32 to index
        %get3A_747 = tpu.vector_load %arg11[%get3A_745, %get3A_746] {strides = array<i32>} : memref<8x4096xf32, #tpu.memory_space<vmem>>, vector<16xf32>,
        %exp3A_748 = math.exp %get3A_747 : vector<16xf32>
        %add3A_749 = arith.addf %add3A_741, %exp3A_748 : vector<16xf32>
        %add3A_750 = arith.constant 96 : i32
        %add3A_751 = arith.addi %mul3A_318, %add3A_750 : i32
        %get3A_752 = arith.constant 6 : i32
        %get3A_753 = arith.index_cast %get3A_752 : i32 to index
        %get3A_754 = arith.index_cast %add3A_751 : i32 to index
        %get3A_755 = tpu.vector_load %arg11[%get3A_753, %get3A_754] {strides = array<i32>} : memref<8x4096xf32, #tpu.memory_space<vmem>>, vector<16xf32>,
        %exp3A_756 = math.exp %get3A_755 : vector<16xf32>
        %add3A_757 = arith.addf %add3A_749, %exp3A_756 : vector<16xf32>
        %add3A_758 = arith.constant 112 : i32
        %add3A_759 = arith.addi %mul3A_318, %add3A_758 : i32
        %get3A_760 = arith.constant 6 : i32
        %get3A_761 = arith.index_cast %get3A_760 : i32 to index
        %get3A_762 = arith.index_cast %add3A_759 : i32 to index
        %get3A_763 = tpu.vector_load %arg11[%get3A_761, %get3A_762] {strides = array<i32>} : memref<8x4096xf32, #tpu.memory_space<vmem>>, vector<16xf32>,
        %exp3A_764 = math.exp %get3A_763 : vector<16xf32>
        %add3A_765 = arith.addf %add3A_757, %exp3A_764 : vector<16xf32>
        %add3A_766 = arith.constant 0 : i32
        %add3A_767 = arith.addi %mul3A_318, %add3A_766 : i32
        %get3A_768 = arith.constant 7 : i32
        %get3A_769 = arith.index_cast %get3A_768 : i32 to index
        %get3A_770 = arith.index_cast %add3A_767 : i32 to index
        %get3A_771 = tpu.vector_load %arg11[%get3A_769, %get3A_770] {strides = array<i32>} : memref<8x4096xf32, #tpu.memory_space<vmem>>, vector<16xf32>,
        %exp3A_772 = math.exp %get3A_771 : vector<16xf32>
        %add3A_773 = arith.addf %scan3A_316, %exp3A_772 : vector<16xf32>
        %add3A_774 = arith.constant 16 : i32
        %add3A_775 = arith.addi %mul3A_318, %add3A_774 : i32
        %get3A_776 = arith.constant 7 : i32
        %get3A_777 = arith.index_cast %get3A_776 : i32 to index
        %get3A_778 = arith.index_cast %add3A_775 : i32 to index
        %get3A_779 = tpu.vector_load %arg11[%get3A_777, %get3A_778] {strides = array<i32>} : memref<8x4096xf32, #tpu.memory_space<vmem>>, vector<16xf32>,
        %exp3A_780 = math.exp %get3A_779 : vector<16xf32>
        %add3A_781 = arith.addf %add3A_773, %exp3A_780 : vector<16xf32>
        %add3A_782 = arith.constant 32 : i32
        %add3A_783 = arith.addi %mul3A_318, %add3A_782 : i32
        %get3A_784 = arith.constant 7 : i32
        %get3A_785 = arith.index_cast %get3A_784 : i32 to index
        %get3A_786 = arith.index_cast %add3A_783 : i32 to index
        %get3A_787 = tpu.vector_load %arg11[%get3A_785, %get3A_786] {strides = array<i32>} : memref<8x4096xf32, #tpu.memory_space<vmem>>, vector<16xf32>,
        %exp3A_788 = math.exp %get3A_787 : vector<16xf32>
        %add3A_789 = arith.addf %add3A_781, %exp3A_788 : vector<16xf32>
        %add3A_790 = arith.constant 48 : i32
        %add3A_791 = arith.addi %mul3A_318, %add3A_790 : i32
        %get3A_792 = arith.constant 7 : i32
        %get3A_793 = arith.index_cast %get3A_792 : i32 to index
        %get3A_794 = arith.index_cast %add3A_791 : i32 to index
        %get3A_795 = tpu.vector_load %arg11[%get3A_793, %get3A_794] {strides = array<i32>} : memref<8x4096xf32, #tpu.memory_space<vmem>>, vector<16xf32>,
        %exp3A_796 = math.exp %get3A_795 : vector<16xf32>
        %add3A_797 = arith.addf %add3A_789, %exp3A_796 : vector<16xf32>
        %add3A_798 = arith.constant 64 : i32
        %add3A_799 = arith.addi %mul3A_318, %add3A_798 : i32
        %get3A_800 = arith.constant 7 : i32
        %get3A_801 = arith.index_cast %get3A_800 : i32 to index
        %get3A_802 = arith.index_cast %add3A_799 : i32 to index
        %get3A_803 = tpu.vector_load %arg11[%get3A_801, %get3A_802] {strides = array<i32>} : memref<8x4096xf32, #tpu.memory_space<vmem>>, vector<16xf32>,
        %exp3A_804 = math.exp %get3A_803 : vector<16xf32>
        %add3A_805 = arith.addf %add3A_797, %exp3A_804 : vector<16xf32>
        %add3A_806 = arith.constant 80 : i32
        %add3A_807 = arith.addi %mul3A_318, %add3A_806 : i32
        %get3A_808 = arith.constant 7 : i32
        %get3A_809 = arith.index_cast %get3A_808 : i32 to index
        %get3A_810 = arith.index_cast %add3A_807 : i32 to index
        %get3A_811 = tpu.vector_load %arg11[%get3A_809, %get3A_810] {strides = array<i32>} : memref<8x4096xf32, #tpu.memory_space<vmem>>, vector<16xf32>,
        %exp3A_812 = math.exp %get3A_811 : vector<16xf32>
        %add3A_813 = arith.addf %add3A_805, %exp3A_812 : vector<16xf32>
        %add3A_814 = arith.constant 96 : i32
        %add3A_815 = arith.addi %mul3A_318, %add3A_814 : i32
        %get3A_816 = arith.constant 7 : i32
        %get3A_817 = arith.index_cast %get3A_816 : i32 to index
        %get3A_818 = arith.index_cast %add3A_815 : i32 to index
        %get3A_819 = tpu.vector_load %arg11[%get3A_817, %get3A_818] {strides = array<i32>} : memref<8x4096xf32, #tpu.memory_space<vmem>>, vector<16xf32>,
        %exp3A_820 = math.exp %get3A_819 : vector<16xf32>
        %add3A_821 = arith.addf %add3A_813, %exp3A_820 : vector<16xf32>
        %add3A_822 = arith.constant 112 : i32
        %add3A_823 = arith.addi %mul3A_318, %add3A_822 : i32
        %get3A_824 = arith.constant 7 : i32
        %get3A_825 = arith.index_cast %get3A_824 : i32 to index
        %get3A_826 = arith.index_cast %add3A_823 : i32 to index
        %get3A_827 = tpu.vector_load %arg11[%get3A_825, %get3A_826] {strides = array<i32>} : memref<8x4096xf32, #tpu.memory_space<vmem>>, vector<16xf32>,
        %exp3A_828 = math.exp %get3A_827 : vector<16xf32>
        %add3A_829 = arith.addf %add3A_821, %exp3A_828 : vector<16xf32>
        scf.yield %add3A_381, %add3A_445, %add3A_509, %add3A_573, %add3A_637, %add3A_701, %add3A_765, %add3A_829 : vector<16xf32>, vector<16xf32>, vector<16xf32>, vector<16xf32>, vector<16xf32>, vector<16xf32>, vector<16xf32>, vector<16xf32>
      }
      %scan3A_216 = arith.constant 32 : i32
      %eq3A_217 = arith.constant 8 : i32
      %eq3A_218 = vector.broadcast %eq3A_217 : i32 to vector<16xi32>
      %eq3A_219 = arith.cmpi eq, %iota3A, %eq3A_218 : vector<16xi32>
      %reduce_sum3A_220 = arith.constant true
      %reduce_sum3A_221 = vector.broadcast %reduce_sum3A_220 : i1 to vector<16xi1>
      %reduce_sum3A_222 = tpu.scan <sum>, %scan3A_215#0 masked %reduce_sum3A_221 : vector<16xf32>, vector<16xi1> -> vector<16xf32>
      %reduce_sum3A_223 = vector.extract %reduce_sum3A_222[15] : f32 from vector<16xf32>
      %broadcast_in_dim3A_224 = vector.broadcast %reduce_sum3A_223 : f32 to vector<16xf32>
      %select_n3A_225 = arith.select %eq3A_219, %broadcast_in_dim3A_224, %select_n3A_170 : vector<16xi1>, vector<16xf32>
      %eq3A_226 = arith.constant 9 : i32
      %eq3A_227 = vector.broadcast %eq3A_226 : i32 to vector<16xi32>
      %eq3A_228 = arith.cmpi eq, %iota3A, %eq3A_227 : vector<16xi32>
      %reduce_sum3A_229 = arith.constant true
      %reduce_sum3A_230 = vector.broadcast %reduce_sum3A_229 : i1 to vector<16xi1>
      %reduce_sum3A_231 = tpu.scan <sum>, %scan3A_215#1 masked %reduce_sum3A_230 : vector<16xf32>, vector<16xi1> -> vector<16xf32>
      %reduce_sum3A_232 = vector.extract %reduce_sum3A_231[15] : f32 from vector<16xf32>
      %broadcast_in_dim3A_233 = vector.broadcast %reduce_sum3A_232 : f32 to vector<16xf32>
      %select_n3A_234 = arith.select %eq3A_228, %broadcast_in_dim3A_233, %select_n3A_225 : vector<16xi1>, vector<16xf32>
      %eq3A_235 = arith.constant 10 : i32
      %eq3A_236 = vector.broadcast %eq3A_235 : i32 to vector<16xi32>
      %eq3A_237 = arith.cmpi eq, %iota3A, %eq3A_236 : vector<16xi32>
      %reduce_sum3A_238 = arith.constant true
      %reduce_sum3A_239 = vector.broadcast %reduce_sum3A_238 : i1 to vector<16xi1>
      %reduce_sum3A_240 = tpu.scan <sum>, %scan3A_215#2 masked %reduce_sum3A_239 : vector<16xf32>, vector<16xi1> -> vector<16xf32>
      %reduce_sum3A_241 = vector.extract %reduce_sum3A_240[15] : f32 from vector<16xf32>
      %broadcast_in_dim3A_242 = vector.broadcast %reduce_sum3A_241 : f32 to vector<16xf32>
      %select_n3A_243 = arith.select %eq3A_237, %broadcast_in_dim3A_242, %select_n3A_234 : vector<16xi1>, vector<16xf32>
      %eq3A_244 = arith.constant 11 : i32
      %eq3A_245 = vector.broadcast %eq3A_244 : i32 to vector<16xi32>
      %eq3A_246 = arith.cmpi eq, %iota3A, %eq3A_245 : vector<16xi32>
      %reduce_sum3A_247 = arith.constant true
      %reduce_sum3A_248 = vector.broadcast %reduce_sum3A_247 : i1 to vector<16xi1>
      %reduce_sum3A_249 = tpu.scan <sum>, %scan3A_215#3 masked %reduce_sum3A_248 : vector<16xf32>, vector<16xi1> -> vector<16xf32>
      %reduce_sum3A_250 = vector.extract %reduce_sum3A_249[15] : f32 from vector<16xf32>
      %broadcast_in_dim3A_251 = vector.broadcast %reduce_sum3A_250 : f32 to vector<16xf32>
      %select_n3A_252 = arith.select %eq3A_246, %broadcast_in_dim3A_251, %select_n3A_243 : vector<16xi1>, vector<16xf32>
      %eq3A_253 = arith.constant 12 : i32
      %eq3A_254 = vector.broadcast %eq3A_253 : i32 to vector<16xi32>
      %eq3A_255 = arith.cmpi eq, %iota3A, %eq3A_254 : vector<16xi32>
      %reduce_sum3A_256 = arith.constant true
      %reduce_sum3A_257 = vector.broadcast %reduce_sum3A_256 : i1 to vector<16xi1>
      %reduce_sum3A_258 = tpu.scan <sum>, %scan3A_215#4 masked %reduce_sum3A_257 : vector<16xf32>, vector<16xi1> -> vector<16xf32>
      %reduce_sum3A_259 = vector.extract %reduce_sum3A_258[15] : f32 from vector<16xf32>
      %broadcast_in_dim3A_260 = vector.broadcast %reduce_sum3A_259 : f32 to vector<16xf32>
      %select_n3A_261 = arith.select %eq3A_255, %broadcast_in_dim3A_260, %select_n3A_252 : vector<16xi1>, vector<16xf32>
      %eq3A_262 = arith.constant 13 : i32
      %eq3A_263 = vector.broadcast %eq3A_262 : i32 to vector<16xi32>
      %eq3A_264 = arith.cmpi eq, %iota3A, %eq3A_263 : vector<16xi32>
      %reduce_sum3A_265 = arith.constant true
      %reduce_sum3A_266 = vector.broadcast %reduce_sum3A_265 : i1 to vector<16xi1>
      %reduce_sum3A_267 = tpu.scan <sum>, %scan3A_215#5 masked %reduce_sum3A_266 : vector<16xf32>, vector<16xi1> -> vector<16xf32>
      %reduce_sum3A_268 = vector.extract %reduce_sum3A_267[15] : f32 from vector<16xf32>
      %broadcast_in_dim3A_269 = vector.broadcast %reduce_sum3A_268 : f32 to vector<16xf32>
      %select_n3A_270 = arith.select %eq3A_264, %broadcast_in_dim3A_269, %select_n3A_261 : vector<16xi1>, vector<16xf32>
      %eq3A_271 = arith.constant 14 : i32
      %eq3A_272 = vector.broadcast %eq3A_271 : i32 to vector<16xi32>
      %eq3A_273 = arith.cmpi eq, %iota3A, %eq3A_272 : vector<16xi32>
      %reduce_sum3A_274 = arith.constant true
      %reduce_sum3A_275 = vector.broadcast %reduce_sum3A_274 : i1 to vector<16xi1>
      %reduce_sum3A_276 = tpu.scan <sum>, %scan3A_215#6 masked %reduce_sum3A_275 : vector<16xf32>, vector<16xi1> -> vector<16xf32>
      %reduce_sum3A_277 = vector.extract %reduce_sum3A_276[15] : f32 from vector<16xf32>
      %broadcast_in_dim3A_278 = vector.broadcast %reduce_sum3A_277 : f32 to vector<16xf32>
      %select_n3A_279 = arith.select %eq3A_273, %broadcast_in_dim3A_278, %select_n3A_270 : vector<16xi1>, vector<16xf32>
      %eq3A_280 = arith.constant 15 : i32
      %eq3A_281 = vector.broadcast %eq3A_280 : i32 to vector<16xi32>
      %eq3A_282 = arith.cmpi eq, %iota3A, %eq3A_281 : vector<16xi32>
      %reduce_sum3A_283 = arith.constant true
      %reduce_sum3A_284 = vector.broadcast %reduce_sum3A_283 : i1 to vector<16xi1>
      %reduce_sum3A_285 = tpu.scan <sum>, %scan3A_215#7 masked %reduce_sum3A_284 : vector<16xf32>, vector<16xi1> -> vector<16xf32>
      %reduce_sum3A_286 = vector.extract %reduce_sum3A_285[15] : f32 from vector<16xf32>
      %broadcast_in_dim3A_287 = vector.broadcast %reduce_sum3A_286 : f32 to vector<16xf32>
      %select_n3A_288 = arith.select %eq3A_282, %broadcast_in_dim3A_287, %select_n3A_279 : vector<16xi1>, vector<16xf32>
      %ge3A_289 = arith.constant 8 : i32
      %ge3A_290 = vector.broadcast %ge3A_289 : i32 to vector<16xi32>
      %ge3A_291 = arith.cmpi sge, %iota3A, %ge3A_290 : vector<16xi32>
      %lt3A_292 = arith.constant 16 : i32
      %lt3A_293 = vector.broadcast %lt3A_292 : i32 to vector<16xi32>
      %lt3A_294 = arith.cmpi slt, %iota3A, %lt3A_293 : vector<16xi32>
      %and3A_295 = arith.andi %ge3A_291, %lt3A_294 : vector<16xi1>
      %sub3A_296 = arith.constant 8 : i32
      %sub3A_297 = vector.broadcast %sub3A_296 : i32 to vector<16xi32>
      %sub3A_298 = arith.subi %iota3A, %sub3A_297 : vector<16xi32>
      %gather3A_299 = tpu.vector_load_idx %arg11[%sub3A_298, %get3A_65] masked %and3A_295 : memref<8x4096xf32, #tpu.memory_space<vmem>>[vector<16xi32>, vector<16xi32>], vector<16xf32>, vector<16xi1>
      %select_n3A_300 = arith.select %and3A_295, %gather3A_299, %select_n3A_180 : vector<16xi1>, vector<16xf32>
      %mul3A_301 = arith.constant 16 : i32
      %mul3A_302 = arith.muli %scan3A_59, %mul3A_301 : i32
      %swap3A = arith.index_cast %mul3A_302 : i32 to index
      %swap3A_303 = tpu.vector_load %arg12[%swap3A] {strides = array<i32>} : memref<512xf32, #tpu.memory_space<vmem>>, vector<16xf32>,
      tpu.vector_store %arg12[%swap3A], %select_n3A_288 {strides = array<i32>} : memref<512xf32, #tpu.memory_space<vmem>>, vector<16xf32>,
      %mul3A_304 = arith.constant 16 : i32
      %mul3A_305 = arith.muli %scan3A_59, %mul3A_304 : i32
      %swap3A_306 = arith.index_cast %mul3A_305 : i32 to index
      %swap3A_307 = tpu.vector_load %arg13[%swap3A_306] {strides = array<i32>} : memref<512xf32, #tpu.memory_space<vmem>>, vector<16xf32>,
      tpu.vector_store %arg13[%swap3A_306], %select_n3A_300 {strides = array<i32>} : memref<512xf32, #tpu.memory_space<vmem>>, vector<16xf32>,
    }
    %scan3A_43 = arith.constant 32 : i32
    %add3A_44 = arith.constant 496 : i32
    %add3A_45 = arith.addi %mul3A_34, %add3A_44 : i32
    %dma_wait3A = arith.constant 0 : i32
    %dma_wait3A_46 = tpu.memref_slice %arg5[%select_n3A, %add3A_45, %dma_wait3A] : memref<8x2048x4096xf32, #tpu.memory_space<hbm>> -> memref<1x8x4096xf32, #tpu.memory_space<hbm>>
    %dma_wait3A_47 = tpu.memref_squeeze %dma_wait3A_46 : memref<1x8x4096xf32, #tpu.memory_space<hbm>> -> memref<8x4096xf32, #tpu.memory_space<hbm>>
    %dma_wait3A_48 = arith.constant 0 : i32
    %dma_wait3A_49 = tpu.memref_slice %arg5[%select_n3A, %add3A_45, %dma_wait3A_48] : memref<8x2048x4096xf32, #tpu.memory_space<hbm>> -> memref<1x8x4096xf32, #tpu.memory_space<hbm>>
    %dma_wait3A_50 = tpu.memref_squeeze %dma_wait3A_49 : memref<1x8x4096xf32, #tpu.memory_space<hbm>> -> memref<8x4096xf32, #tpu.memory_space<hbm>>
    tpu.wait_dma2 semaphore(%arg16 : memref<!tpu.dma_semaphore, #tpu.memory_space<semaphore_mem>>) src(%arg10 : memref<8x4096xf32, #tpu.memory_space<vmem>>) dst(%dma_wait3A_50 : memref<8x4096xf32, #tpu.memory_space<hbm>>)
    %add3A_51 = arith.constant 504 : i32
    %add3A_52 = arith.addi %mul3A_34, %add3A_51 : i32
    %dma_wait3A_53 = arith.constant 0 : i32
    %dma_wait3A_54 = tpu.memref_slice %arg5[%select_n3A, %add3A_52, %dma_wait3A_53] : memref<8x2048x4096xf32, #tpu.memory_space<hbm>> -> memref<1x8x4096xf32, #tpu.memory_space<hbm>>
    %dma_wait3A_55 = tpu.memref_squeeze %dma_wait3A_54 : memref<1x8x4096xf32, #tpu.memory_space<hbm>> -> memref<8x4096xf32, #tpu.memory_space<hbm>>
    %dma_wait3A_56 = arith.constant 0 : i32
    %dma_wait3A_57 = tpu.memref_slice %arg5[%select_n3A, %add3A_52, %dma_wait3A_56] : memref<8x2048x4096xf32, #tpu.memory_space<hbm>> -> memref<1x8x4096xf32, #tpu.memory_space<hbm>>
    %dma_wait3A_58 = tpu.memref_squeeze %dma_wait3A_57 : memref<1x8x4096xf32, #tpu.memory_space<hbm>> -> memref<8x4096xf32, #tpu.memory_space<hbm>>
    tpu.wait_dma2 semaphore(%arg17 : memref<!tpu.dma_semaphore, #tpu.memory_space<semaphore_mem>>) src(%arg11 : memref<8x4096xf32, #tpu.memory_space<vmem>>) dst(%dma_wait3A_58 : memref<8x4096xf32, #tpu.memory_space<hbm>>)
    "tpu.region"() ({
      %run_scoped3A = tpu.sem_alloc : memref<!tpu.dma_semaphore, #tpu.memory_space<semaphore_mem>>
      %dma_start3A_59 = tpu.memref_slice %arg6[%mul3A_2] : memref<16384xf32, #tpu.memory_space<hbm>> -> memref<512xf32, #tpu.memory_space<hbm>>
      %dma_start3A_60 = tpu.memref_slice %arg6[%mul3A_2] : memref<16384xf32, #tpu.memory_space<hbm>> -> memref<512xf32, #tpu.memory_space<hbm>>
      tpu.enqueue_dma source(%arg12 : memref<512xf32, #tpu.memory_space<vmem>>) target(%dma_start3A_60 : memref<512xf32, #tpu.memory_space<hbm>>) target_semaphore(%run_scoped3A : memref<!tpu.dma_semaphore, #tpu.memory_space<semaphore_mem>>)
      %dma_wait3A_61 = tpu.memref_slice %arg6[%mul3A_2] : memref<16384xf32, #tpu.memory_space<hbm>> -> memref<512xf32, #tpu.memory_space<hbm>>
      %dma_wait3A_62 = tpu.memref_slice %arg6[%mul3A_2] : memref<16384xf32, #tpu.memory_space<hbm>> -> memref<512xf32, #tpu.memory_space<hbm>>
      tpu.wait_dma2 semaphore(%run_scoped3A : memref<!tpu.dma_semaphore, #tpu.memory_space<semaphore_mem>>) src(%arg12 : memref<512xf32, #tpu.memory_space<vmem>>) dst(%dma_wait3A_62 : memref<512xf32, #tpu.memory_space<hbm>>)
      tpu.yield
    }) : () -> ()
    "tpu.region"() ({
      %run_scoped3A = tpu.sem_alloc : memref<!tpu.dma_semaphore, #tpu.memory_space<semaphore_mem>>
      %dma_start3A_59 = tpu.memref_slice %arg7[%mul3A_2] : memref<16384xf32, #tpu.memory_space<hbm>> -> memref<512xf32, #tpu.memory_space<hbm>>
      %dma_start3A_60 = tpu.memref_slice %arg7[%mul3A_2] : memref<16384xf32, #tpu.memory_space<hbm>> -> memref<512xf32, #tpu.memory_space<hbm>>
      tpu.enqueue_dma source(%arg13 : memref<512xf32, #tpu.memory_space<vmem>>) target(%dma_start3A_60 : memref<512xf32, #tpu.memory_space<hbm>>) target_semaphore(%run_scoped3A : memref<!tpu.dma_semaphore, #tpu.memory_space<semaphore_mem>>)
      %dma_wait3A_61 = tpu.memref_slice %arg7[%mul3A_2] : memref<16384xf32, #tpu.memory_space<hbm>> -> memref<512xf32, #tpu.memory_space<hbm>>
      %dma_wait3A_62 = tpu.memref_slice %arg7[%mul3A_2] : memref<16384xf32, #tpu.memory_space<hbm>> -> memref<512xf32, #tpu.memory_space<hbm>>
      tpu.wait_dma2 semaphore(%run_scoped3A : memref<!tpu.dma_semaphore, #tpu.memory_space<semaphore_mem>>) src(%arg13 : memref<512xf32, #tpu.memory_space<vmem>>) dst(%dma_wait3A_62 : memref<512xf32, #tpu.memory_space<hbm>>)
      tpu.yield
    }) : () -> ()
    return
  }
}

module attributes {stable_mosaic.version = 14 : i64} {
  func.func @_loss_body(%arg0: memref<128x128xf32, #tpu.memory_space<vmem>>, %arg1: memref<128x128xf32, #tpu.memory_space<vmem>>, %arg2: memref<1x1xf32, #tpu.memory_space<smem>>) attributes {dimension_semantics = [], scalar_prefetch = 0 : i64, scratch_operands = 0 : i64, tpu.core_type = #tpu.core_type<tc>} {
    %get3A = arith.constant 0 : index
    %get3A_0 = arith.constant 0 : index
    %get3A_1 = vector.load %arg0[%get3A, %get3A_0] : memref<128x128xf32, #tpu.memory_space<vmem>>, vector<128x128xf32>
    %log3A = math.log %get3A_1 : vector<128x128xf32>
    %reduce_sum3A = vector.shape_cast %log3A : vector<128x128xf32> to vector<1x128x128xf32>
    %reduce_sum3A_2 = arith.constant dense<0.000000e+00> : vector<1xf32>
    %reduce_sum3A_3 = vector.multi_reduction <add>, %reduce_sum3A, %reduce_sum3A_2 [1, 2] : vector<1x128x128xf32> to vector<1xf32>
    %reduce_sum3A_4 = vector.shape_cast %reduce_sum3A_3 : vector<1xf32> to vector<1x1x1xf32>
    %reduce_sum3A_5 = vector.extract %reduce_sum3A_4[0, 0, 0] : f32 from vector<1x1x1xf32>
    %div3A = arith.constant 1.638400e+04 : f32
    %div3A_6 = arith.divf %reduce_sum3A_5, %div3A : f32
    %get3A_7 = arith.constant 0 : index
    %get3A_8 = arith.constant 0 : index
    %get3A_9 = vector.load %arg1[%get3A_7, %get3A_8] : memref<128x128xf32, #tpu.memory_space<vmem>>, vector<128x128xf32>
    %reduce_sum3A_10 = vector.shape_cast %get3A_9 : vector<128x128xf32> to vector<1x128x128xf32>
    %reduce_sum3A_11 = arith.constant dense<0.000000e+00> : vector<1xf32>
    %reduce_sum3A_12 = vector.multi_reduction <add>, %reduce_sum3A_10, %reduce_sum3A_11 [1, 2] : vector<1x128x128xf32> to vector<1xf32>
    %reduce_sum3A_13 = vector.shape_cast %reduce_sum3A_12 : vector<1xf32> to vector<1x1x1xf32>
    %reduce_sum3A_14 = vector.extract %reduce_sum3A_13[0, 0, 0] : f32 from vector<1x1x1xf32>
    %div3A_15 = arith.constant 1.638400e+04 : f32
    %div3A_16 = arith.divf %reduce_sum3A_14, %div3A_15 : f32
    %sub3A = arith.subf %div3A_6, %div3A_16 : f32
    %swap3A = arith.constant 0 : index
    %swap3A_17 = arith.constant 0 : index
    %swap3A_18 = memref.load %arg2[%swap3A, %swap3A_17] : memref<1x1xf32, #tpu.memory_space<smem>>
    memref.store %sub3A, %arg2[%swap3A, %swap3A_17] : memref<1x1xf32, #tpu.memory_space<smem>>
    return
  }
}

</mosaic_0001>

<sc_bundles>
// kernel: kernel.4.cloned.1.call-start
scs
__scs_entry_jumppad:
0x0: {  	(pc) =	sbr.rel $0x88, $3  }
0x1: {  	(tag) =	ssettag $0x0;
	lr =	simm.s32 $0x1  }
0x2: {  	[smem:$0x3F9E] =	sst lr;
	_ =	strace $0xD0000000  }
0x3: {  	_ = 	snop  }
0x4: {  	_ = 	snop  }
0x5: {  	_ = 	snop  }
0x6: {  	_ = 	snop  }
0x7: {  	_ = 	snop  }
__scs_overlays_trampoline_lowered:
0x8: {  	[smem:$0x3FAD] =	sst s0  }
0x9: {  	[smem:$0x3FAE] =	sst s1  }
0xa: {  	[smem:$0x3FAF] =	sst s2  }
0xb: {  	[smem:$0x3FB0] =	sst s3  }
0xc: {  	[smem:$0x3FB1] =	sst s4  }
0xd: {  	[smem:$0x3FB2] =	sst s5  }
0xe: {  	[smem:$0x3FB3] =	sst s6  }
0xf: {  	[smem:$0x3FB4] =	sst s7  }
0x10: {  	[smem:$0x3FB5] =	sst s8  }
0x11: {  	[smem:$0x3FB6] =	sst s9;
	s0 =	simm.s32 @!p0 $0x0  }
0x12: {  	s1 =	sld [smem:$0x3F9C];
	s0 =	simm.s32 @p0 $0x1  }
0x13: {  	[smem:$0x3FB7] =	sst s0;
	s0 =	simm.s32 @!p1 $0x0  }
0x14: {  	s2 =	sld [smem:$0x3F9B];
	s0 =	simm.s32 @p1 $0x1  }
0x15: {  	[smem:$0x3FB8] =	sst s0;
	s0 =	simm.s32 @!p2 $0x0  }
0x16: {  	s3 =	sld [smem:$0x3FDB];
	s0 =	simm.s32 @p2 $0x1  }
0x17: {  	s4 =	simm.s32 $0x1BF5;
	[smem:$0x3FBA] =	sst s0  }
0x18: {  	s0 =	sld [smem:$0x3F9D];
	_ =	swait.ge [sflag:s4], $0x0  }
0x19: {  	s7 =	sld [smem:$0x3F9E]  }
0x1a: {  	s8 =	sadd.s32 $0xFFFFE003, lr  }
0x1b: {  	s9 =	sadd.s32 $0xFFFFFEF7, lr;
	s5 =	simm.s32 $0xFFFFFFFF;
	p2 =	slt.u32 s8, $0xFFFFF086  }
0x1c: {  	p1 =	slt.u32 s9, $0xF7A;
	s5 =	simm.s32 @!p2 $0x0  }
0x1d: {  	s5 =	simm.s32 @p1 $0x1;
	p0 =	seq.s32 s7, s2  }
0x1e: {  	s7 =	smul.u32 @!p0 $0xF7A, s2;
	p2 =	seq.s32 @!p0 s5, $0x0  }
0x1f: {  	s9 =	smul.u32 $0xF7A, s1;
	s8 =	simm.s32 @!p0 $0x1BF5;
	p2 =	por !p2, p0  }
0x20: {  	[sflag:s8] =	ssyncset.s32 @!p0 $0xFFFFF086;
	s6 =	sadd.s32 @!p0 s3, s7;
	s7 =	simm.s32 @!p0 $0x108  }
0x21: {  	s3 =	sadd.s32 s3, s9;
	s6 =	sadd.s32 @!p0 $0x88, s6;
	s7 =	simm.s32 @p2 $0x1082  }
0x22: {  	[simem:s7], [sflag:s8] =	dma.local @!p0 [hbm:s6], $0xF7A  }
0x23: {  	s9 =	sor.u32 $0xD0000000, s2;
	s6 =	simm.s32 $0x108;
	_ =	swait.ge @!p0 [sflag:s8], $0x0  }
0x24: {  	s3 =	sadd.s32 $0x88, s3;
	s6 =	simm.s32 @!p1 $0x1082;
	[sflag:s4] =	ssyncset.s32 $0xFFFFF086  }
0x25: {  	[simem:s6], [sflag:s4] =	dma.local [hbm:s3], $0xF7A  }
0x26: {  	[smem:$0x3F9E] =	sst s1;
	(tag) =	ssettag s2;
	_ =	strace s9  }
0x27: {  	s1 =	sld [smem:$0x3FAE]  }
0x28: {  	s2 =	sld [smem:$0x3FAF]  }
0x29: {  	s4 =	sld [smem:$0x3FB1]  }
0x2a: {  	p0 =	seq.s32 s5, $0x0;
	s5 =	sld [smem:$0x3FB2]  }
0x2b: {  	s6 =	sld [smem:$0x3FB3]  }
0x2c: {  	s7 =	sld [smem:$0x3FB4]  }
0x2d: {  	s3 =	simm.s32 $0x108;
	s8 =	sld [smem:$0x3FB5]  }
0x2e: {  	s3 =	simm.s32 @!p0 $0x1082;
	s9 =	sld [smem:$0x3FB6]  }
0x2f: {  	lr =	sadd.s32 s0, s3;
	s0 =	sld [smem:$0x3FAD]  }
0x30: {  	s3 =	sld [smem:$0x3FB0]  }
0x31: {  	[smem:$0x3FB9] =	sst s10  }
0x32: {  	s10 =	sld [smem:$0x3FB7];
	_ =	sdelay $0x3  }
0x33: {  	p0 =	seq.s32 s10, $0x1;
	s10 =	sld [smem:$0x3FB9];
	_ =	sdelay $0x3  }
0x34: {  	[smem:$0x3FB9] =	sst s10  }
0x35: {  	s10 =	sld [smem:$0x3FB8];
	_ =	sdelay $0x3  }
0x36: {  	p1 =	seq.s32 s10, $0x1;
	s10 =	sld [smem:$0x3FB9];
	_ =	sdelay $0x3  }
0x37: {  	[smem:$0x3FB9] =	sst s10  }
0x38: {  	s10 =	sld [smem:$0x3FBA]  }
0x39: {  	_ = 	snop;
	(pc) =	sbr.ind lr, $3  }
0x3a: {  	_ = 	snop  }
0x3b: {  	_ = 	snop  }
0x3c: {  	p2 =	seq.s32 s10, $0x1;
	s10 =	sld [smem:$0x3FB9]  }
0x3d: {  	_ =	shalt  }
0x3e: {  	_ =	shalt  }
0x3f: {  	_ =	shalt  }
0x40: {  	_ =	shalt  }
0x41: {  	_ =	shalt  }
0x42: {  	_ =	shalt  }
0x43: {  	_ =	shalt  }
0x44: {  	_ =	shalt  }
0x45: {  	_ =	shalt  }
0x46: {  	_ =	shalt  }
0x47: {  	_ =	shalt  }
0x48: {  	_ =	shalt  }
0x49: {  	_ =	shalt  }
0x4a: {  	_ =	shalt  }
0x4b: {  	_ =	shalt  }
0x4c: {  	_ =	shalt  }
0x4d: {  	_ =	shalt  }
0x4e: {  	_ =	shalt  }
0x4f: {  	_ =	shalt  }
0x50: {  	_ =	shalt  }
0x51: {  	_ =	shalt  }
0x52: {  	_ =	shalt  }
0x53: {  	_ =	shalt  }
0x54: {  	_ =	shalt  }
0x55: {  	_ =	shalt  }
0x56: {  	_ =	shalt  }
0x57: {  	_ =	shalt  }
0x58: {  	_ =	shalt  }
0x59: {  	_ =	shalt  }
0x5a: {  	_ =	shalt  }
0x5b: {  	_ =	shalt  }
0x5c: {  	_ =	shalt  }
0x5d: {  	_ =	shalt  }
0x5e: {  	_ =	shalt  }
0x5f: {  	_ =	shalt  }
0x60: {  	_ =	shalt  }
0x61: {  	_ =	shalt  }
0x62: {  	_ =	shalt  }
0x63: {  	_ =	shalt  }
0x64: {  	_ =	shalt  }
0x65: {  	_ =	shalt  }
0x66: {  	_ =	shalt  }
0x67: {  	_ =	shalt  }
0x68: {  	_ =	shalt  }
0x69: {  	_ =	shalt  }
0x6a: {  	_ =	shalt  }
0x6b: {  	_ =	shalt  }
0x6c: {  	_ =	shalt  }
0x6d: {  	_ =	shalt  }
0x6e: {  	_ =	shalt  }
0x6f: {  	_ =	shalt  }
0x70: {  	_ =	shalt  }
0x71: {  	_ =	shalt  }
0x72: {  	_ =	shalt  }
0x73: {  	_ =	shalt  }
0x74: {  	_ =	shalt  }
0x75: {  	_ =	shalt  }
0x76: {  	_ =	shalt  }
0x77: {  	_ =	shalt  }
0x78: {  	_ =	shalt  }
0x79: {  	_ =	shalt  }
0x7a: {  	_ =	shalt  }
0x7b: {  	_ =	shalt  }
0x7c: {  	_ =	shalt  }
0x7d: {  	_ =	shalt  }
0x7e: {  	_ =	shalt  }
0x7f: {  	_ =	shalt  }
0x80: {  	_ =	shalt  }
0x81: {  	_ =	shalt  }
0x82: {  	_ =	shalt  }
0x83: {  	_ =	shalt  }
0x84: {  	_ =	shalt  }
0x85: {  	_ =	shalt  }
0x86: {  	_ =	shalt  }
0x87: {  	_ =	shalt  }
.Lfunc_end0:
.L_simem_size_0:
called_computation_lowered:
.L_overlay_start_0:
0x88: {  	s2 =	sld [smem:$0x3FD9]  }
0x89: {  	s3 =	sld [smem:$0x3FFE];
	_ =	sdelay $0x1  }
0x8a: {  	s1 =	srdreg.scid  }
0x8b: {  	s0 =	sand.u32 $0x1, s1  }
0x8c: {  	s14 =	sshll.u32 s0, $0xA;
	s2 =	sadd.s32 s3, s2  }
0x8d: {  	s2 =	sadd.s32 s2, s14  }
0x8e: {  	[smem:$0x3FC5] =	sst s2  }
0x8f: {  	_ = 	snop  }
0x90: {  	s2 =	sld [smem:$0x3FD0]  }
0x91: {  	s15 =	sld [smem:$0x3FC9]  }
0x92: {  	s4 =	sld [smem:$0x3FC8]  }
0x93: {  	s6 =	simm.s32 $0xA;
	s7 =	simm.s32 $0x10;
	s5 =	sld [smem:$0x3FC7]  }
0x94: {  	[smem:s7], [sflag:s6] =	dma.local [hbm:s2], $0x1  }
0x95: {  	_ =	swait.eq [sflag:s6], $0x1  }
0x96: {  	[sflag:s6] =	ssyncset.done $0x0  }
0x97: {  	[sflag:s6] =	ssyncadd.s32 $0xFFFFFFFF  }
0x98: {  	s16 =	sld [smem:$0x10];
	(tm) =	ssettm $0x1  }
0x99: {  	s17 =	sld [smem:$0x3FFB];
	_ =	sdelay $0x3  }
0x9a: {  	_ =	strace s17  }
0x9b: {  	s6 =	sld [smem:$0x3FFC];
	_ =	sdelay $0x3  }
0x9c: {  	_ =	strace s6  }
0x9d: {  	s6 =	sld [smem:$0x3FFD];
	_ =	sdelay $0x3  }
0x9e: {  	_ =	strace s6  }
0x9f: {  	_ =	strace $0x8FFFFFFF  }
0xa0: {  	s18 =	sld [smem:$0x3FDB];
	_ =	sdelay $0x1  }
0xa1: {  	s19 =	simm.s32 $_scs_section_size  }
0xa2: {  	s8 =	simm.s32 $_size__tile_overlayer_lowered;
	s9 =	simm.s32 $_tile_overlayer_lowered  }
0xa3: {  	s22 =	simm.s32 $0x1BFF;
	s21 =	sshll.u32 s9, $0x1;
	s6 =	sadd.s32 s19, s18  }
0xa4: {  	s10 =	simm.s32 $0x0;
	s20 =	sshll.u32 s8, $0x1;
	s8 =	sadd.s32 s21, s6  }
0xa5: {  	[timem:s10], [sflag:s22] =	dma.local [hbm:s8], s20  }
0xa6: {  	_ =	swait.ge [sflag:s22], s20  }
0xa7: {  	s7 =	ssub.s32 $0x0, s20;
	[sflag:s22] =	ssyncset.done $0x0  }
0xa8: {  	[sflag:s22] =	ssyncadd.s32 s7;
	_ =	sdelay $0x1  }
0xa9: {  	s23 =	simm.s32 $0x1B8B  }
0xaa: {  	_ =	swait.ge [sflag:s23], $0x1  }
0xab: {  	[sflag:s23] =	ssyncset.done $0x0  }
0xac: {  	s25 =	simm.s32 $0x1B8E;
	s24 =	sld [smem:$0x3FFE];
	[sflag:s23] =	ssyncadd.s32 $0xFFFFFFFF  }
0xad: {  	s26 =	simm.s32 $execute0_lowered;
	[smem:$0x3FD2] =	sst s25  }
0xae: {  	s8 =	sshll.u32 s26, $0x1;
	_ =	strace $0x80000046;
	[dreg:$0x1] =	wrdreg $0xFFFFFFFF  }
0xaf: {  	s28 =	simm.s32 $_size_execute0_lowered;
	s6 =	sadd.s32 s6, s8;
	[dreg:$0x0] =	wrdreg $0x0  }
0xb0: {  	s8 =	sshll.u32 s28, $0x1;
	[dreg:$0x2] =	wrdreg s6  }
0xb1: {  	[dreg:$0x3] =	wrdreg s8  }
0xb2: {  	[dreg:$0x4] =	wrdreg $0xC0  }
0xb3: {  	_ =	task [dreg:s10], $0x5FFFF  }
0xb4: {  	[dreg:$0x1] =	wrdreg $0xFFFFFFFF  }
0xb5: {  	[dreg:$0x0] =	wrdreg $0x60  }
0xb6: {  	[dreg:$0x2] =	wrdreg s15  }
0xb7: {  	[dreg:$0x3] =	wrdreg s4  }
0xb8: {  	[dreg:$0x4] =	wrdreg s5  }
0xb9: {  	[dreg:$0x5] =	wrdreg s16  }
0xba: {  	[dreg:$0x6] =	wrdreg s24  }
0xbb: {  	[dreg:$0x7] =	wrdreg $0x9  }
0xbc: {  	_ =	task.clear_ibuf [dreg:s10], $0x8FFFF;
	_ =	strace $0x90000046  }
0xbd: {  	s29 =	simm.s32 $0x9;
	_ =	strace $0x80000048  }
0xbe: {  	_ =	swait.ge [sflag:s29], $0x1  }
0xbf: {  	[sflag:s29] =	ssyncadd.s32 $0xFFFFFFFF  }
0xc0: {  	_ =	strace $0x90000048  }
0xc1: {  	_ =	sfence  }
0xc2: {  	s30 =	sld [smem:$0x0];
	_ =	sdelay $0x2  }
0xc3: {  	s31 =	sshll.u32 s1, $0xD;
	s1 =	sshrl.u32 s1, $0x2  }
0xc4: {  	s3 =	sand.u32 $0x4000, s31;
	s1 =	sadd.s32 s1, s30  }
0xc5: {  	s0 =	sor.u32 s3, s0;
	s1 =	sshll.u32 s1, $0x11  }
0xc6: {  	s0 =	sor.u32 s1, s0  }
0xc7: {  	s0 =	sadd.s32 $0x8F2B, s0  }
0xc8: {  	[sflag:s0] =	ssyncadd.remote.s32 $0x1  }
0xc9: {  	_ =	sfence.sel $0xFFFF  }
0xca: {  	[dreg:$0x0] =	wrdreg $0xFFFFFFFF;
	(pc) =	sbr.abs _section_cstart, $3  }
0xcb: {  	[dreg:$0x1] =	wrdreg $0xFFFFFFFF  }
0xcc: {  	_ =	task.clear_ibuf [dreg:s10], $0x2FFFF;
	_ =	strace $0x9FFFFFFF  }
0xcd: {  	(tm) =	ssettm $0x7FFFFFFF  }
tec
execute0_lowered:
.L_overlay_start_1:
0x0: {  	(tag) =	ssettag $0x1  }
0x1: {  	s0 =	rddreg [dreg:$0x0]  }
0x2: {  	s3 =	rddreg [dreg:$0x1]  }
0x3: {  	s1 =	rddreg [dreg:$0x2];
	v0 =	vlaneseq.u32;
	vm0 =	vmmov $0xffff;
	vm1 =	vmmov $0x1  }
0x4: {  	s2 =	rddreg [dreg:$0x3];
	s29 =	simm.s32 $0x0;
	v60 =	vimm.s32 $0x0;
	vm2 =	vmmov $0x3;
	vm3 =	vmmov $0x7  }
0x5: {  	vm4 =	vmmov $0xf;
	[smem:$0x7FF] =	sst s29;
	v1 =	vshrl.u32 v0, $0x3;
	v0 =	vand.u32 $0x7, v0  }
0x6: {  	s4 =	rddreg [dreg:$0x4];
	v61 =	vimm.s32 $0x8380;
	_ =	strace $0x80000047;
	[tilespmem:$0x1FFB0] =	vst v0;
	v0 =	vsel vm1, $0xFFFFFFFF, v60;
	vm1 =	vcmask $0x300  }
0x7: {  	vm5 =	vmmov $0x1f;
	vm7 =	vcmask $0x704;
	[tilespmem:$0x1FFD0] =	vst v0;
	v0 =	vsel vm1, $0x0, v61  }
0x8: {  	vm8 =	vcmask $0xB08;
	vm9 =	vcmask $0xF0C;
	v0 =	vsel vm7, $0x80, v0  }
0x9: {  	s5 =	srdreg.scid;
	s8 =	stileid.u32;
	v62 =	vimm.s32 $0x380;
	vm10 =	vcmask $0x1310;
	s30 =	simm.s32 $0x400;
	v0 =	vsel vm8, $0x100, v0  }
0xa: {  	s31 =	simm.s32 $0x2;
	s5 =	sand.u32 $0x1, s5;
	s6 =	sshll.u32 s8, $0x1;
	v59 =	vmul.u32 $0x8, v1;
	v1 =	vsel vm1, $0xFFFF8000, v62;
	v0 =	vsel vm9, $0x180, v0  }
0xb: {  	s21 =	sshrl.u32 s8, $0x1;
	s8 =	sadd.s32 $0x100, s1;
	s10 =	sadd.s32 $0x300, s1;
	vm1 =	vcmask $0x1714;
	v1 =	vsel vm7, $0xFFFF8080, v1;
	v0 =	vsel vm10, $0x200, v0  }
0xc: {  	s11 =	sadd.s32 $0x400, s1;
	s12 =	sadd.s32 $0x500, s1;
	s13 =	sadd.s32 $0x600, s1;
	vm7 =	vcmask $0x1B18;
	v1 =	vsel vm8, $0xFFFF8100, v1;
	v0 =	vsel vm1, $0x280, v0  }
0xd: {  	s14 =	sadd.s32 $0x700, s1;
	s15 =	sadd.s32 $0x800, s1;
	s16 =	sadd.s32 $0x900, s1;
	vm8 =	vcmask $0x1F1C;
	v1 =	vsel vm9, $0xFFFF8180, v1;
	v0 =	vsel vm7, $0x300, v0  }
0xe: {  	vm12 =	vcmask $0x2320;
	s17 =	sadd.s32 $0xA00, s1;
	s18 =	sadd.s32 $0xB00, s1;
	s28 =	sadd.s32 $0xF00, s1;
	v1 =	vsel vm10, $0xFFFF8200, v1;
	v0 =	vsel vm8, $0x380, v0  }
0xf: {  	s6 =	sor.u32 s5, s6;
	s19 =	ssub.s32 $0x2, s5;
	s9 =	sshll.u32 s21, $0x4;
	vm9 =	vcmask $0x2724;
	v1 =	vsel vm1, $0xFFFF8280, v1;
	v0 =	vsel vm12, $0x8000, v0  }
0x10: {  	s21 =	sshll.u32 s21, $0x17;
	s7 =	sshll.u32 s6, $0x6;
	s6 =	sand.u32 $0x3, s6;
	vm1 =	vcmask $0x2B28;
	v1 =	vsel vm7, $0xFFFF8300, v1;
	v0 =	vsel vm9, $0x8080, v0  }
0x11: {  	s20 =	sshrl.u32 s19, $0x1;
	s5 =	sshll.u32 s6, $0x9;
	s4 =	sadd.s32 s7, s4;
	vm7 =	vcmask $0x2F2C;
	v1 =	vsel vm8, $0xFFFF8380, v1;
	v0 =	vsel vm1, $0x8100, v0  }
0x12: {  	vm11 =	vcmask $0x3330;
	s7 =	ssub.s32 s19, s20;
	s19 =	sadd.s32 $0xC00, s1;
	s20 =	sadd.s32 $0xD00, s1;
	v1 =	vsel vm12, $0x0, v1;
	v0 =	vsel vm7, $0x8180, v0  }
0x13: {  	vm13 =	vcmask $0x3734;
	s23 =	sshll.u32 s6, $0x15;
	s6 =	simm.s32 $0x5;
	s24 =	sadd.s32 $0xC00, s4;
	v1 =	vsel vm9, $0x80, v1;
	v0 =	vsel vm11, $0x8200, v0  }
0x14: {  	vm15 =	vcmask $0x3B38;
	s9 =	sor.u32 s9, s5;
	s25 =	sadd.s32 $0x1400, s4;
	[dreg:$0x8] =	wrdreg s24;
	v1 =	vsel vm1, $0x100, v1;
	v0 =	vsel vm13, $0x8280, v0  }
0x15: {  	vm6 =	vmmov $0x3f;
	s26 =	smax.u32 s7, $0x1;
	s4 =	simm.s32 $0x0;
	[dreg:$0x9] =	wrdreg s25;
	v63 =	vsel vm7, $0x180, v1;
	v0 =	vsel vm15, $0x8300, v0  }
0x16: {  	vm14 =	vmmov $0x3fff;
	s0 =	sadd.s32 s0, s9;
	s22 =	sadd.s32 s3, s9;
	[dreg:$0xa] =	wrdreg s26;
	vm10 =	vmmov $0x3ff;
	[tilespmem:$0x1FFE0] =	vst v0;
	v0 =	vsel vm11, $0x200, v63  }
0x17: {  	s9 =	sadd.s32 $0x200, s1;
	s26 =	sadd.s32 $0xE00, s1;
	[dreg:$0x6] =	wrdreg s0;
	vm8 =	vmmov $0x7f;
	vm12 =	vmmov $0xfff;
	v0 =	vsel vm13, $0x280, v0  }
0x18: {  	[tilespmem:$0x1FFC0] =	vst v59;
	s24 =	simm.s32 $0xFC00;
	s25 =	simm.s32 $0x1;
	[dreg:$0x7] =	wrdreg s22;
	vm9 =	vmmov $0x1ff;
	vm7 =	vmmov $0xff;
	v0 =	vsel vm15, $0x300, v0  }
0x19: {  	s22 =	sor.u32 s21, s23;
	s0 =	simm.s32 $0x8400;
	s23 =	simm.s32 $0xF400;
	vm11 =	vmmov $0x7ff;
	vm13 =	vmmov $0x1fff;
	vm15 =	vmmov $0x7fff;
	[tilespmem:$0x1FFF0] =	vst v0  }
.LBB2_1:
0x1a: {  	[dreg:$0xb] =	wrdreg s4  }
0x1b: {  	s3 =	rddreg [dreg:$0x6];
	s4 =	simm.s32 $0x80  }
0x1c: {  	[tilespmem:s29], [sflag:$0x5] =	stream.strided.gather [hbm4b:s3+s4], $0x200, s30, s4, $0x38;
	[tilespmem:$0x10800] =	vst v63  }
0x1d: {  	_ =	swait.ge [sflag:s6], $0x200  }
0x1e: {  	[sflag:s6] =	ssyncset.done $0x0  }
0x1f: {  	s7 =	simm.s32 $0x200;
	s3 =	rddreg [dreg:$0x7];
	[sflag:s6] =	ssyncadd.s32 $0xFFFFFE00  }
0x20: {  	[tilespmem:s7], [sflag:$0x5] =	stream.strided.gather [hbm4b:s3+s4], $0x200, s30, s4, $0x38;
	[tilespmem:$0x10800] =	vst v63  }
0x21: {  	_ =	swait.ge [sflag:s6], $0x200  }
0x22: {  	[sflag:s6] =	ssyncset.done $0x0  }
0x23: {  	[sflag:s6] =	ssyncadd.s32 $0xFFFFFE00  }
0x24: {  	v0 =	vld.msk [tilespmem:$0x0], $0xff;
	_ =	sdelay $0x2  }
0x25: {  	v62 =	vld [tilespmem:$0x1FFB0];
	_ =	sdelay $0x1  }
0x26: {  	v63 =	vld [tilespmem:$0x1FFC0];
	v1 =	vshll.u32 v0, $0x5  }
0x27: {  	v0 =	vand.u32 $0x7, v0;
	v1 =	vand.u32 $0xFFFFFF00, v1  }
0x28: {  	v0 =	vor.u32 v0, v1  }
0x29: {  	v0 =	vperm.xlane v0, v62;
	_ =	sdelay $0x1  }
0x2a: {  	v0 =	vadd.s32 v63, v0;
	_ =	sdelay $0x4  }
0x2b: {  	[tilespmem:s30], [sflag:$0x1] =	stream.indirect_vreg.gather [hbm4b:s1+s29], $0x80, v0, vm0, $0xb8;
	[tilespmem:$0x10800] =	vst v63  }
0x2c: {  	s4 =	simm.s32 $0xC00  }
0x2d: {  	[tilespmem:s4], [sflag:$0x1] =	stream.indirect_vreg.gather [hbm4b:s8+s29], $0x80, v0, vm0, $0xb8;
	[tilespmem:$0x10800] =	vst v63  }
0x2e: {  	s6 =	simm.s32 $0x1400  }
0x2f: {  	[tilespmem:s6], [sflag:$0x1] =	stream.indirect_vreg.gather [hbm4b:s9+s29], $0x80, v0, vm0, $0xb8;
	[tilespmem:$0x10800] =	vst v63  }
0x30: {  	s7 =	simm.s32 $0x1C00  }
0x31: {  	[tilespmem:s7], [sflag:$0x1] =	stream.indirect_vreg.gather [hbm4b:s10+s29], $0x80, v0, vm0, $0xb8;
	[tilespmem:$0x10800] =	vst v63  }
0x32: {  	s4 =	simm.s32 $0x2400  }
0x33: {  	[tilespmem:s4], [sflag:$0x1] =	stream.indirect_vreg.gather [hbm4b:s11+s29], $0x80, v0, vm0, $0xb8;
	[tilespmem:$0x10800] =	vst v63  }
0x34: {  	s6 =	simm.s32 $0x2C00  }
0x35: {  	[tilespmem:s6], [sflag:$0x1] =	stream.indirect_vreg.gather [hbm4b:s12+s29], $0x80, v0, vm0, $0xb8;
	[tilespmem:$0x10800] =	vst v63  }
0x36: {  	s7 =	simm.s32 $0x3400  }
0x37: {  	[tilespmem:s7], [sflag:$0x1] =	stream.indirect_vreg.gather [hbm4b:s13+s29], $0x80, v0, vm0, $0xb8;
	[tilespmem:$0x10800] =	vst v63  }
0x38: {  	s4 =	simm.s32 $0x3C00  }
0x39: {  	[tilespmem:s4], [sflag:$0x1] =	stream.indirect_vreg.gather [hbm4b:s14+s29], $0x80, v0, vm0, $0xb8;
	[tilespmem:$0x10800] =	vst v63  }
0x3a: {  	s6 =	simm.s32 $0x4400  }
0x3b: {  	[tilespmem:s6], [sflag:$0x1] =	stream.indirect_vreg.gather [hbm4b:s15+s29], $0x80, v0, vm0, $0xb8;
	[tilespmem:$0x10800] =	vst v63  }
0x3c: {  	s7 =	simm.s32 $0x4C00  }
0x3d: {  	[tilespmem:s7], [sflag:$0x1] =	stream.indirect_vreg.gather [hbm4b:s16+s29], $0x80, v0, vm0, $0xb8;
	[tilespmem:$0x10800] =	vst v63  }
0x3e: {  	s4 =	simm.s32 $0x5400  }
0x3f: {  	[tilespmem:s4], [sflag:$0x1] =	stream.indirect_vreg.gather [hbm4b:s17+s29], $0x80, v0, vm0, $0xb8;
	[tilespmem:$0x10800] =	vst v63  }
0x40: {  	s6 =	simm.s32 $0x5C00  }
0x41: {  	[tilespmem:s6], [sflag:$0x1] =	stream.indirect_vreg.gather [hbm4b:s18+s29], $0x80, v0, vm0, $0xb8;
	[tilespmem:$0x10800] =	vst v63  }
0x42: {  	s7 =	simm.s32 $0x6400  }
0x43: {  	[tilespmem:s7], [sflag:$0x1] =	stream.indirect_vreg.gather [hbm4b:s19+s29], $0x80, v0, vm0, $0xb8;
	[tilespmem:$0x10800] =	vst v63  }
0x44: {  	s4 =	simm.s32 $0x6C00  }
0x45: {  	[tilespmem:s4], [sflag:$0x1] =	stream.indirect_vreg.gather [hbm4b:s20+s29], $0x80, v0, vm0, $0xb8;
	[tilespmem:$0x10800] =	vst v63  }
0x46: {  	s6 =	simm.s32 $0x7400  }
0x47: {  	[tilespmem:s6], [sflag:$0x1] =	stream.indirect_vreg.gather [hbm4b:s26+s29], $0x80, v0, vm0, $0xb8;
	[tilespmem:$0x10800] =	vst v63  }
0x48: {  	s7 =	simm.s32 $0x7C00;
	s4 =	simm.s32 $0x0  }
0x49: {  	[tilespmem:s7], [sflag:$0x1] =	stream.indirect_vreg.gather [hbm4b:s28+s29], $0x80, v0, vm0, $0xb8;
	[tilespmem:$0x10800] =	vst v63  }
.LBB2_2:
0x4a: {  	s3 =	sshll.u32 s4, $0x4  }
0x4b: {  	v0 =	vld [tilespmem:s3+$0x200];
	_ =	sdelay $0x3  }
0x4c: {  	p0 =	seq.s32 s4, $0x0  }
0x4d: {  	s7 =	simm.s32 @!p0 $0x4;
	[tilespmem:$0x1FF70] =	vst v0  }
0x4e: {  	s6 =	sshllo.u32 s4, $0x1;
	_ =	swait.ge @!p0 [sflag:s7], $0x8000  }
0x4f: {  	s29 =	sshll.u32 s6, $0x3;
	[sflag:s7] =	ssyncset.done @!p0 $0x0  }
0x50: {  	s29 =	sand.u32 $0x3FFFFFF8, s29;
	[sflag:s7] =	ssyncadd.s32 @!p0 $0xFFFF8000  }
0x51: {  	v0 =	vld.msk [tilespmem:s29+$0x0], $0xff;
	_ =	sdelay $0x4  }
0x52: {  	v1 =	vshll.u32 v0, $0x5  }
0x53: {  	v0 =	vand.u32 $0x7, v0;
	v1 =	vand.u32 $0xFFFFFF00, v1  }
0x54: {  	v0 =	vor.u32 v0, v1;
	v1 =	vld [tilespmem:$0x1FFB0];
	_ =	sdelay $0x4  }
0x55: {  	v0 =	vperm.xlane v0, v1;
	v1 =	vld [tilespmem:$0x1FFC0];
	_ =	sdelay $0x4  }
0x56: {  	v0 =	vadd.s32 v1, v0;
	_ =	sdelay $0x3  }
0x57: {  	s7 =	simm.s32 $0x0  }
0x58: {  	[tilespmem:s0], [sflag:$0x2] =	stream.indirect_vreg.gather [hbm4b:s1+s7], $0x80, v0, vm0, $0xb8;
	[tilespmem:$0x10800] =	vst v63  }
0x59: {  	s29 =	simm.s32 $0x8C00  }
0x5a: {  	[tilespmem:s29], [sflag:$0x2] =	stream.indirect_vreg.gather [hbm4b:s8+s7], $0x80, v0, vm0, $0xb8;
	[tilespmem:$0x10800] =	vst v63  }
0x5b: {  	s29 =	simm.s32 $0x9400  }
0x5c: {  	[tilespmem:s29], [sflag:$0x2] =	stream.indirect_vreg.gather [hbm4b:s9+s7], $0x80, v0, vm0, $0xb8;
	[tilespmem:$0x10800] =	vst v63  }
0x5d: {  	s29 =	simm.s32 $0x9C00  }
0x5e: {  	[tilespmem:s29], [sflag:$0x2] =	stream.indirect_vreg.gather [hbm4b:s10+s7], $0x80, v0, vm0, $0xb8;
	[tilespmem:$0x10800] =	vst v63  }
0x5f: {  	s29 =	simm.s32 $0xA400  }
0x60: {  	[tilespmem:s29], [sflag:$0x2] =	stream.indirect_vreg.gather [hbm4b:s11+s7], $0x80, v0, vm0, $0xb8;
	[tilespmem:$0x10800] =	vst v63  }
0x61: {  	s29 =	simm.s32 $0xAC00  }
0x62: {  	[tilespmem:s29], [sflag:$0x2] =	stream.indirect_vreg.gather [hbm4b:s12+s7], $0x80, v0, vm0, $0xb8;
	[tilespmem:$0x10800] =	vst v63  }
0x63: {  	s29 =	simm.s32 $0xB400  }
0x64: {  	[tilespmem:s29], [sflag:$0x2] =	stream.indirect_vreg.gather [hbm4b:s13+s7], $0x80, v0, vm0, $0xb8;
	[tilespmem:$0x10800] =	vst v63  }
0x65: {  	s29 =	simm.s32 $0xBC00  }
0x66: {  	[tilespmem:s29], [sflag:$0x2] =	stream.indirect_vreg.gather [hbm4b:s14+s7], $0x80, v0, vm0, $0xb8;
	[tilespmem:$0x10800] =	vst v63  }
0x67: {  	s29 =	simm.s32 $0xC400  }
0x68: {  	[tilespmem:s29], [sflag:$0x2] =	stream.indirect_vreg.gather [hbm4b:s15+s7], $0x80, v0, vm0, $0xb8;
	[tilespmem:$0x10800] =	vst v63  }
0x69: {  	s29 =	simm.s32 $0xCC00  }
0x6a: {  	[tilespmem:s29], [sflag:$0x2] =	stream.indirect_vreg.gather [hbm4b:s16+s7], $0x80, v0, vm0, $0xb8;
	[tilespmem:$0x10800] =	vst v63  }
0x6b: {  	s29 =	simm.s32 $0xD400  }
0x6c: {  	[tilespmem:s29], [sflag:$0x2] =	stream.indirect_vreg.gather [hbm4b:s17+s7], $0x80, v0, vm0, $0xb8;
	[tilespmem:$0x10800] =	vst v63  }
0x6d: {  	s29 =	simm.s32 $0xDC00  }
0x6e: {  	[tilespmem:s29], [sflag:$0x2] =	stream.indirect_vreg.gather [hbm4b:s18+s7], $0x80, v0, vm0, $0xb8;
	[tilespmem:$0x10800] =	vst v63  }
0x6f: {  	s29 =	simm.s32 $0xE400  }
0x70: {  	[tilespmem:s29], [sflag:$0x2] =	stream.indirect_vreg.gather [hbm4b:s19+s7], $0x80, v0, vm0, $0xb8;
	[tilespmem:$0x10800] =	vst v63  }
0x71: {  	s29 =	simm.s32 $0xEC00  }
0x72: {  	[tilespmem:s29], [sflag:$0x2] =	stream.indirect_vreg.gather [hbm4b:s20+s7], $0x80, v0, vm0, $0xb8;
	[tilespmem:$0x10800] =	vst v63  }
0x73: {  	s29 =	sadd.s32 s5, s3  }
0x74: {  	[tilespmem:s23], [sflag:$0x2] =	stream.indirect_vreg.gather [hbm4b:s26+s7], $0x80, v0, vm0, $0xb8;
	[tilespmem:$0x10800] =	vst v63  }
0x75: {  	s29 =	sshll.u32 s29, $0xC  }
0x76: {  	[tilespmem:s24], [sflag:$0x2] =	stream.indirect_vreg.gather [hbm4b:s28+s7], $0x80, v0, vm0, $0xb8;
	[tilespmem:$0x10800] =	vst v63  }
0x77: {  	s29 =	sadd.s32 s21, s29;
	_ =	swait.ge [sflag:s25], $0x8000  }
0x78: {  	s29 =	sshrl.u32 s29, $0x3;
	[sflag:s25] =	ssyncset.done $0x0  }
0x79: {  	s29 =	sadd.s32 s2, s29;
	[sflag:s25] =	ssyncadd.s32 $0xFFFF8000  }
0x7a: {  	[hbm4b:s29+s7] =	stream.linear.scatter [tilespmem:s30], [sflag:$0x3], $0x8000, $0x38;
	[tilespmem:$0x10800] =	vst v63  }
0x7b: {  	s29 =	simm.s32 $0x0  }
0x7c: {  	v0 =	vld [tilespmem:s29+$0x470]  }
0x7d: {  	v1 =	vld [tilespmem:s29+$0x4F0]  }
0x7e: {  	v2 =	vld [tilespmem:s29+$0x570]  }
0x7f: {  	v3 =	vld [tilespmem:s29+$0x5F0]  }
0x80: {  	v5 =	vld [tilespmem:s29+$0x670]  }
0x81: {  	v6 =	vld [tilespmem:s29+$0x6F0]  }
0x82: {  	v7 =	vld [tilespmem:s29+$0x770]  }
0x83: {  	v8 =	vld [tilespmem:s29+$0x7F0]  }
0x84: {  	v9 =	vld [tilespmem:s29+$0x460]  }
0x85: {  	v10 =	vld [tilespmem:s29+$0x4E0]  }
0x86: {  	v11 =	vld [tilespmem:s29+$0x560]  }
0x87: {  	v12 =	vld [tilespmem:s29+$0x5E0]  }
0x88: {  	v13 =	vld [tilespmem:s29+$0x660]  }
0x89: {  	v14 =	vld [tilespmem:s29+$0x6E0]  }
0x8a: {  	v17 =	vld [tilespmem:s29+$0x450]  }
0x8b: {  	v18 =	vld [tilespmem:s29+$0x4D0]  }
0x8c: {  	v21 =	vld [tilespmem:s29+$0x550];
	v0 =	vmul.f32 $1.442695020e+00, v0;
	v1 =	vmul.f32 $1.442695020e+00, v1  }
0x8d: {  	v22 =	vld [tilespmem:s29+$0x5D0];
	v2 =	vmul.f32 $1.442695020e+00, v2;
	v3 =	vmul.f32 $1.442695020e+00, v3  }
0x8e: {  	v23 =	vld [tilespmem:s29+$0x650];
	v19 =	vmul.f32 $1.442695020e+00, v5;
	v20 =	vmul.f32 $1.442695020e+00, v6  }
0x8f: {  	v28 =	vld [tilespmem:s29+$0x5C0];
	v4 =	vmul.f32 $1.442695020e+00, v7;
	v9 =	vmul.f32 $1.442695020e+00, v9  }
0x90: {  	v37 =	vld [tilespmem:s29+$0x720];
	v10 =	vmul.f32 $1.442695020e+00, v10;
	v24 =	vmul.f32 $1.442695020e+00, v11  }
0x91: {  	v15 =	vld [tilespmem:s29+$0x760];
	v25 =	vmul.f32 $1.442695020e+00, v12;
	v13 =	vmul.f32 $1.442695020e+00, v13  }
0x92: {  	v61 =	vld [tilespmem:s29+$0x710];
	v14 =	vmul.f32 $1.442695020e+00, v14;
	v26 =	vmul.f32 $1.442695020e+00, v17  }
0x93: {  	v63 =	vld [tilespmem:s29+$0x790];
	v27 =	vmul.f32 $1.442695020e+00, v18;
	v21 =	vmul.f32 $1.442695020e+00, v21  }
0x94: {  	v16 =	vld [tilespmem:s29+$0x7E0];
	v22 =	vmul.f32 $1.442695020e+00, v22;
	v23 =	vmul.f32 $1.442695020e+00, v23  }
0x95: {  	v11 =	vld [tilespmem:s29+$0x6D0];
	v32 =	vmul.f32 $1.442695020e+00, v28;
	v43 =	vmul.f32 $1.442695020e+00, v37  }
0x96: {  	[tilespmem:$0x1FF80] =	vst v4;
	v4 =	vmul.f32 $1.442695020e+00, v8;
	v8 =	vmul.f32 $1.442695020e+00, v15;
	v15 =	vld [tilespmem:s29+$0x7D0]  }
0x97: {  	v17 =	vld [tilespmem:s29+$0x4C0];
	v51 =	vmul.f32 $1.442695020e+00, v61;
	(erf) = vpow2.f32 v0  }
0x98: {  	v18 =	vld [tilespmem:s29+$0x540];
	v52 =	vmul.f32 $1.442695020e+00, v63;
	(erf) = vpow2.f32 v1  }
0x99: {  	v12 =	vld [tilespmem:s29+$0x750];
	[tilespmem:$0x1FF90] =	vst v4;
	v4 =	vmul.f32 $1.442695020e+00, v16;
	(erf) = vpow2.f32 v2  }
0x9a: {  	v16 =	vld [tilespmem:s29+$0x440];
	v30 =	vmul.f32 $1.442695020e+00, v11;
	(erf) = vpow2.f32 v3  }
0x9b: {  	(erf) = vpow2.f32 v19;
	v11 =	vmul.f32 $1.442695020e+00, v15;
	v15 =	vld [tilespmem:s29+$0x6C0]  }
0x9c: {  	v2 =	vmul.f32 $1.442695020e+00, v17;
	v17 =	vld [tilespmem:s29+$0x7C0];
	(erf) = vpow2.f32 v20  }
0x9d: {  	v3 =	vmul.f32 $1.442695020e+00, v18;
	v18 =	vld [tilespmem:s29+$0x430];
	(erf) = vpow2.f32 v9  }
0x9e: {  	v12 =	vmul.f32 $1.442695020e+00, v12;
	v19 =	vld [tilespmem:s29+$0x4B0];
	(erf) = vpow2.f32 v10  }
0x9f: {  	v28 =	vld [tilespmem:s29+$0x6B0];
	v1 =	vmul.f32 $1.442695020e+00, v16;
	(erf) = vpow2.f32 v24  }
0xa0: {  	v9 =	vld [tilespmem:s29+$0x530];
	(erf) = vpow2.f32 v25;
	v33 =	vmul.f32 $1.442695020e+00, v15  }
0xa1: {  	v10 =	vld [tilespmem:s29+$0x5B0];
	v15 =	vmul.f32 $1.442695020e+00, v17;
	(erf) = vpow2.f32 v13;
	v17 =	vpop (erf)  }
0xa2: {  	v0 =	vld [tilespmem:s29+$0x640];
	v25 =	vmul.f32 $1.442695020e+00, v18;
	(erf) = vpow2.f32 v14;
	v18 =	vpop (erf)  }
0xa3: {  	v16 =	vld [tilespmem:s29+$0x740];
	v34 =	vmul.f32 $1.442695020e+00, v19;
	(erf) = vpow2.f32 v26;
	v19 =	vpop (erf)  }
0xa4: {  	v62 =	vmul.f32 $1.442695020e+00, v28;
	v13 =	vld [tilespmem:s29+$0x730];
	(erf) = vpow2.f32 v27;
	v20 =	vpop (erf)  }
0xa5: {  	v36 =	vld [tilespmem:s29+$0x4A0];
	v54 =	vmul.f32 $1.442695020e+00, v9;
	(erf) = vpow2.f32 v21;
	v9 =	vpop (erf)  }
0xa6: {  	v55 =	vmul.f32 $1.442695020e+00, v10;
	v21 =	vld [tilespmem:s29+$0x520];
	(erf) = vpow2.f32 v22;
	v10 =	vpop (erf)  }
0xa7: {  	v0 =	vmul.f32 $1.442695020e+00, v0;
	v14 =	vld [tilespmem:s29+$0x7B0];
	(erf) = vpow2.f32 v23;
	v29 =	vpop (erf)  }
0xa8: {  	v16 =	vmul.f32 $1.442695020e+00, v16;
	v26 =	vld [tilespmem:s29+$0x420];
	(erf) = vpow2.f32 v30;
	v31 =	vpop (erf)  }
0xa9: {  	v28 =	vmul.f32 $1.442695020e+00, v13;
	v23 =	vld [tilespmem:s29+$0x620];
	(erf) = vpow2.f32 v1;
	v35 =	vpop (erf)  }
0xaa: {  	v30 =	vld [tilespmem:s29+$0x6A0];
	v1 =	vmul.f32 $1.442695020e+00, v36;
	(erf) = vpow2.f32 v2;
	v36 =	vpop (erf)  }
0xab: {  	v2 =	vmul.f32 $1.442695020e+00, v21;
	v21 =	vld [tilespmem:s29+$0x7A0];
	(erf) = vpow2.f32 v3;
	v13 =	vpop (erf)  }
0xac: {  	v27 =	vmul.f32 $1.442695020e+00, v14;
	v3 =	vld [tilespmem:s29+$0x410];
	(erf) = vpow2.f32 v32;
	v14 =	vpop (erf)  }
0xad: {  	v58 =	vld [tilespmem:s29+$0x490];
	v26 =	vmul.f32 $1.442695020e+00, v26;
	(erf) = vpow2.f32 v0;
	v39 =	vpop (erf)  }
0xae: {  	v48 =	vmul.f32 $1.442695020e+00, v23;
	v0 =	vld [tilespmem:s29+$0x400];
	(erf) = vpow2.f32 v33;
	v40 =	vpop (erf)  }
0xaf: {  	v23 =	vld [tilespmem:s29+$0x480];
	v49 =	vmul.f32 $1.442695020e+00, v30;
	(erf) = vpow2.f32 v25;
	v41 =	vpop (erf)  }
0xb0: {  	v30 =	vld [tilespmem:s29+$0x500];
	v42 =	vmul.f32 $1.442695020e+00, v21;
	(erf) = vpow2.f32 v34;
	v44 =	vpop (erf)  }
0xb1: {  	v59 =	vld [tilespmem:s29+$0x580];
	v3 =	vmul.f32 $1.442695020e+00, v3;
	(erf) = vpow2.f32 v26;
	v21 =	vpop (erf)  }
0xb2: {  	v60 =	vld [tilespmem:s29+$0x510];
	v26 =	vmul.f32 $1.442695020e+00, v58;
	(erf) = vpow2.f32 v1;
	v25 =	vpop (erf)  }
0xb3: {  	v0 =	vmul.f32 $1.442695020e+00, v0;
	v1 =	vld [tilespmem:s29+$0x590];
	(erf) = vpow2.f32 v3;
	v45 =	vpop (erf)  }
0xb4: {  	v3 =	vmul.f32 $1.442695020e+00, v23;
	v23 =	vld [tilespmem:s29+$0x610];
	(erf) = vpow2.f32 v26;
	v46 =	vpop (erf)  }
0xb5: {  	v22 =	vld [tilespmem:s29+$0x5A0];
	v26 =	vmul.f32 $1.442695020e+00, v30;
	(erf) = vpow2.f32 v0;
	v47 =	vpop (erf)  }
0xb6: {  	v24 =	vld [tilespmem:s29+$0x630];
	v0 =	vmul.f32 $1.442695020e+00, v59;
	(erf) = vpow2.f32 v3;
	v50 =	vpop (erf)  }
0xb7: {  	v30 =	vld [tilespmem:s29+$0x690];
	v3 =	vmul.f32 $1.442695020e+00, v60;
	(erf) = vpow2.f32 v26;
	v37 =	vpop (erf)  }
0xb8: {  	v1 =	vmul.f32 $1.442695020e+00, v1;
	v26 =	vld [tilespmem:s29+$0x600];
	(erf) = vpow2.f32 v0;
	v38 =	vpop (erf)  }
0xb9: {  	v57 =	vmul.f32 $1.442695020e+00, v23;
	v23 =	vld [tilespmem:s29+$0x680];
	(erf) = vpow2.f32 v3;
	v53 =	vpop (erf)  }
0xba: {  	v22 =	vmul.f32 $1.442695020e+00, v22;
	v3 =	vld [tilespmem:s29+$0x700];
	(erf) = vpow2.f32 v1;
	v56 =	vpop (erf)  }
0xbb: {  	v24 =	vmul.f32 $1.442695020e+00, v24;
	v33 =	vld [tilespmem:s29+$0x780];
	(erf) = vpow2.f32 v2;
	v59 =	vpop (erf)  }
0xbc: {  	v32 =	vimm.f32 $0.0e+00;
	v58 =	vmul.f32 $1.442695020e+00, v30;
	(erf) = vpow2.f32 v22;
	v60 =	vpop (erf)  }
0xbd: {  	v34 =	vimm.f32 $0.0e+00;
	v0 =	vmul.f32 $1.442695020e+00, v26;
	(erf) = vpow2.f32 v54;
	v1 =	vpop (erf)  }
0xbe: {  	v30 =	vimm.f32 $0.0e+00;
	v61 =	vmul.f32 $1.442695020e+00, v23;
	(erf) = vpow2.f32 v55;
	v2 =	vpop (erf)  }
0xbf: {  	v26 =	vimm.f32 $0.0e+00;
	v55 =	vmul.f32 $1.442695020e+00, v3;
	(erf) = vpow2.f32 v24;
	v3 =	vpop (erf)  }
0xc0: {  	v22 =	vimm.f32 $0.0e+00;
	v54 =	vmul.f32 $1.442695020e+00, v33;
	(erf) = vpow2.f32 v62;
	v62 =	vpop (erf)  }
0xc1: {  	s7 =	simm.s32 $0x1000;
	[tilespmem:$0x1FFA0] =	vst v4;
	v33 =	vimm.f32 $0.0e+00;
	v23 =	vimm.f32 $0.0e+00;
	v24 =	vimm.f32 $0.0e+00;
	v63 =	vpop (erf)  }
.LBB2_3:
0xc2: {  	v4 =	vadd.f32 v3, v30;
	v30 =	vadd.f32 v62, v32;
	v62 =	vpop (erf);
	(erf) = vpow2.f32 v48  }
0xc3: {  	v6 =	vadd.f32 v63, v33;
	v63 =	vpop (erf);
	(erf) = vpow2.f32 v49  }
0xc4: {  	v1 =	vadd.f32 v1, v4;
	v2 =	vadd.f32 v2, v30;
	v3 =	vpop (erf);
	(erf) = vpow2.f32 v57  }
0xc5: {  	v4 =	vadd.f32 v63, v6;
	v48 =	vpop (erf);
	(erf) = vpow2.f32 v58  }
0xc6: {  	v1 =	vadd.f32 v59, v1;
	v2 =	vadd.f32 v60, v2;
	v49 =	vpop (erf);
	(erf) = vpow2.f32 v0  }
0xc7: {  	v5 =	vadd.f32 v62, v34;
	v0 =	vadd.f32 v48, v4;
	v30 =	vpop (erf);
	(erf) = vpow2.f32 v61  }
0xc8: {  	v1 =	vadd.f32 v53, v1;
	v2 =	vadd.f32 v56, v2;
	v56 =	vpop (erf);
	(erf) = vpow2.f32 v55  }
0xc9: {  	v0 =	vadd.f32 v30, v0;
	v57 =	vpop (erf);
	(erf) = vpow2.f32 v54  }
0xca: {  	v3 =	vadd.f32 v3, v5;
	v1 =	vadd.f32 v45, v1;
	v58 =	vpop (erf);
	(erf) = vpow2.f32 v51  }
0xcb: {  	v2 =	vadd.f32 v46, v2;
	v0 =	vadd.f32 v47, v0;
	v59 =	vpop (erf);
	(erf) = vpow2.f32 v52  }
0xcc: {  	v3 =	vadd.f32 v49, v3;
	v1 =	vadd.f32 v39, v1;
	v60 =	vpop (erf);
	(erf) = vpow2.f32 v43  }
0xcd: {  	v2 =	vadd.f32 v40, v2;
	v0 =	vadd.f32 v41, v0;
	v62 =	vpop (erf);
	(erf) = vpow2.f32 v42  }
0xce: {  	v3 =	vadd.f32 v56, v3;
	v4 =	vadd.f32 v29, v1;
	v29 =	vpop (erf);
	(erf) = vpow2.f32 v28  }
0xcf: {  	s29 =	sshra.s32 s7, $0x2;
	v2 =	vadd.f32 v31, v2;
	v31 =	vpop (erf);
	(erf) = vpow2.f32 v27  }
0xd0: {  	v7 =	vld [tilespmem:s29+$0x4E0];
	v3 =	vadd.f32 v50, v3;
	v1 =	vpop (erf);
	(erf) = vpow2.f32 v16  }
0xd1: {  	v63 =	vld [tilespmem:s29+$0x4F0];
	v5 =	vadd.f32 v35, v0;
	v0 =	vpop (erf);
	(erf) = vpow2.f32 v15  }
0xd2: {  	v61 =	vld [tilespmem:s29+$0x470];
	v3 =	vadd.f32 v44, v3;
	(erf) = vpow2.f32 v12;
	v12 =	vpop (erf)  }
0xd3: {  	v56 =	vld [tilespmem:s29+$0x7A0];
	v30 =	vadd.f32 v17, v4;
	v4 =	vadd.f32 v12, v22;
	v17 =	vpop (erf);
	(erf) = vpow2.f32 v11  }
0xd4: {  	v46 =	vld [tilespmem:s29+$0x7E0];
	v33 =	vadd.f32 v19, v5;
	v15 =	vadd.f32 v31, v26;
	(erf) = vpow2.f32 v8;
	v8 =	vpop (erf)  }
0xd5: {  	v1 =	vadd.f32 v1, v24;
	v5 =	vadd.f32 v8, v4;
	v4 =	vld [tilespmem:$0x1FFA0]  }
0xd6: {  	v47 =	vld [tilespmem:s29+$0x4D0];
	v3 =	vadd.f32 v36, v3;
	v32 =	vadd.f32 v18, v2  }
0xd7: {  	v28 =	vld [tilespmem:s29+$0x570];
	v15 =	vadd.f32 v62, v15;
	v1 =	vadd.f32 v29, v1  }
0xd8: {  	v27 =	vld [tilespmem:s29+$0x5F0];
	v34 =	vadd.f32 v20, v3;
	v0 =	vadd.f32 v0, v23;
	v12 =	vpop (erf)  }
0xd9: {  	v2 =	vld [tilespmem:s29+$0x670];
	v20 =	vadd.f32 v59, v15;
	v1 =	vadd.f32 v60, v1;
	v6 =	vpop (erf)  }
0xda: {  	v0 =	vadd.f32 v17, v0;
	v6 =	vadd.f32 v6, v5;
	(erf) = vpow2.f32 v4;
	v4 =	vld [tilespmem:$0x1FF80]  }
0xdb: {  	v16 =	vld [tilespmem:s29+$0x770];
	v5 =	vadd.f32 v57, v20;
	v1 =	vadd.f32 v58, v1  }
0xdc: {  	v18 =	vld [tilespmem:s29+$0x460];
	v0 =	vadd.f32 v12, v0  }
0xdd: {  	v3 =	vld [tilespmem:s29+$0x6F0];
	v8 =	vpop (erf);
	v5 =	vadd.f32 v37, v5;
	v1 =	vadd.f32 v38, v1  }
0xde: {  	v11 =	vld [tilespmem:s29+$0x7F0];
	v15 =	vpop (erf);
	v0 =	vadd.f32 v8, v0  }
0xdf: {  	v8 =	vpop (erf);
	v5 =	vadd.f32 v21, v5;
	v1 =	vadd.f32 v25, v1;
	(erf) = vpow2.f32 v4;
	v4 =	vld [tilespmem:$0x1FF90]  }
0xe0: {  	v6 =	vadd.f32 v15, v6;
	v15 =	vmul.f32 $1.442695020e+00, v28;
	v28 =	vld [tilespmem:s29+$0x6E0];
	v0 =	vadd.f32 v8, v0  }
0xe1: {  	v29 =	vld [tilespmem:s29+$0x660];
	v22 =	vpop (erf);
	v13 =	vadd.f32 v13, v5;
	v5 =	vadd.f32 v14, v1  }
0xe2: {  	v42 =	vmul.f32 $1.442695020e+00, v56;
	v17 =	vld [tilespmem:s29+$0x560];
	v6 =	vadd.f32 v22, v6;
	v8 =	vpop (erf)  }
0xe3: {  	v19 =	vmul.f32 $1.442695020e+00, v61;
	v21 =	vpop (erf);
	v0 =	vadd.f32 v8, v0;
	v24 =	vadd.f32 v10, v5;
	v10 =	vld [tilespmem:s29+$0x650]  }
0xe4: {  	v27 =	vmul.f32 $1.442695020e+00, v27;
	v25 =	vld [tilespmem:s29+$0x450];
	v8 =	vadd.f32 v21, v6;
	v21 =	vpop (erf);
	(erf) = vpow2.f32 v4  }
0xe5: {  	v2 =	vmul.f32 $1.442695020e+00, v2;
	v0 =	vadd.f32 v21, v0;
	v21 =	vmul.f32 $1.442695020e+00, v28;
	v28 =	vld [tilespmem:s29+$0x440]  }
0xe6: {  	v3 =	vmul.f32 $1.442695020e+00, v3;
	v14 =	vpop (erf);
	v4 =	vmul.f32 $1.442695020e+00, v16;
	v16 =	vld [tilespmem:s29+$0x550]  }
0xe7: {  	v20 =	vmul.f32 $1.442695020e+00, v63;
	v8 =	vadd.f32 v14, v8;
	v14 =	vmul.f32 $1.442695020e+00, v18;
	v18 =	vld [tilespmem:s29+$0x5D0]  }
0xe8: {  	v26 =	vadd.f32 v9, v13;
	v9 =	vmul.f32 $1.442695020e+00, v7;
	v48 =	vmul.f32 $1.442695020e+00, v10;
	v10 =	vld [tilespmem:s29+$0x5C0]  }
0xe9: {  	v12 =	vld [tilespmem:s29+$0x5E0];
	v13 =	vmul.f32 $1.442695020e+00, v29;
	[tilespmem:$0x1FF80] =	vst v4;
	v4 =	vmul.f32 $1.442695020e+00, v11  }
0xea: {  	v31 =	vld [tilespmem:s29+$0x760];
	v29 =	vmul.f32 $1.442695020e+00, v47;
	v25 =	vmul.f32 $1.442695020e+00, v25;
	v11 =	vpop (erf)  }
0xeb: {  	v50 =	vmul.f32 $1.442695020e+00, v28;
	[tilespmem:$0x1FF90] =	vst v4;
	v4 =	vmul.f32 $1.442695020e+00, v46;
	v23 =	vadd.f32 v11, v0;
	v11 =	vld [tilespmem:s29+$0x6D0]  }
0xec: {  	v0 =	vmul.f32 $1.442695020e+00, v17;
	v17 =	vld [tilespmem:s29+$0x7D0];
	v35 =	vmul.f32 $1.442695020e+00, v16  }
0xed: {  	v36 =	vmul.f32 $1.442695020e+00, v18;
	v16 =	vld [tilespmem:s29+$0x540];
	v58 =	vmul.f32 $1.442695020e+00, v10;
	v1 =	vpop (erf)  }
0xee: {  	v18 =	vld [tilespmem:s29+$0x640];
	(erf) = vpow2.f32 v19;
	v22 =	vadd.f32 v1, v8;
	v1 =	vmul.f32 $1.442695020e+00, v12  }
0xef: {  	v10 =	vld [tilespmem:s29+$0x530];
	v8 =	vmul.f32 $1.442695020e+00, v31;
	(erf) = vpow2.f32 v20  }
0xf0: {  	v12 =	vld [tilespmem:s29+$0x750];
	v49 =	vmul.f32 $1.442695020e+00, v11;
	(erf) = vpow2.f32 v15  }
0xf1: {  	v31 =	vld [tilespmem:s29+$0x4C0];
	v11 =	vmul.f32 $1.442695020e+00, v17;
	(erf) = vpow2.f32 v27  }
0xf2: {  	v17 =	vld [tilespmem:s29+$0x6C0];
	v57 =	vmul.f32 $1.442695020e+00, v16;
	(erf) = vpow2.f32 v2  }
0xf3: {  	v59 =	vmul.f32 $1.442695020e+00, v18;
	v15 =	vld [tilespmem:s29+$0x740];
	(erf) = vpow2.f32 v3  }
0xf4: {  	v19 =	vld [tilespmem:s29+$0x7C0];
	v54 =	vmul.f32 $1.442695020e+00, v10;
	(erf) = vpow2.f32 v14  }
0xf5: {  	v2 =	vld [tilespmem:s29+$0x430];
	v12 =	vmul.f32 $1.442695020e+00, v12;
	(erf) = vpow2.f32 v9  }
0xf6: {  	v51 =	vmul.f32 $1.442695020e+00, v31;
	v9 =	vld [tilespmem:s29+$0x5B0];
	(erf) = vpow2.f32 v0  }
0xf7: {  	v3 =	vld [tilespmem:s29+$0x4B0];
	v44 =	vmul.f32 $1.442695020e+00, v17;
	v17 =	vpop (erf);
	(erf) = vpow2.f32 v1  }
0xf8: {  	v14 =	vld [tilespmem:s29+$0x7B0];
	v16 =	vmul.f32 $1.442695020e+00, v15;
	v18 =	vpop (erf);
	(erf) = vpow2.f32 v13  }
0xf9: {  	v15 =	vmul.f32 $1.442695020e+00, v19;
	v0 =	vld [tilespmem:s29+$0x630];
	v19 =	vpop (erf);
	(erf) = vpow2.f32 v21  }
0xfa: {  	v1 =	vmul.f32 $1.442695020e+00, v2;
	v2 =	vld [tilespmem:s29+$0x6B0];
	(erf) = vpow2.f32 v25;
	v20 =	vpop (erf)  }
0xfb: {  	v13 =	vld [tilespmem:s29+$0x730];
	v55 =	vmul.f32 $1.442695020e+00, v9;
	(erf) = vpow2.f32 v29;
	v9 =	vpop (erf)  }
0xfc: {  	v3 =	vmul.f32 $1.442695020e+00, v3;
	v21 =	vld [tilespmem:s29+$0x420];
	(erf) = vpow2.f32 v35;
	v10 =	vpop (erf)  }
0xfd: {  	v27 =	vmul.f32 $1.442695020e+00, v14;
	v25 =	vld [tilespmem:s29+$0x4A0];
	v29 =	vpop (erf);
	(erf) = vpow2.f32 v36  }
0xfe: {  	v61 =	vld [tilespmem:s29+$0x620];
	v63 =	vmul.f32 $1.442695020e+00, v0;
	v31 =	vpop (erf);
	(erf) = vpow2.f32 v48  }
0xff: {  	[tilespmem:$0x1FFA0] =	vst v4;
	v0 =	vld [tilespmem:s29+$0x520];
	v4 =	vmul.f32 $1.442695020e+00, v2;
	v35 =	vpop (erf);
	(erf) = vpow2.f32 v49  }
0x100: {  	v2 =	vld [tilespmem:s29+$0x5A0];
	v28 =	vmul.f32 $1.442695020e+00, v13;
	(erf) = vpow2.f32 v50;
	v36 =	vpop (erf)  }
0x101: {  	v62 =	vmul.f32 $1.442695020e+00, v21;
	v21 =	vld [tilespmem:s29+$0x6A0];
	(erf) = vpow2.f32 v51;
	v13 =	vpop (erf)  }
0x102: {  	v46 =	vmul.f32 $1.442695020e+00, v25;
	v25 =	vld [tilespmem:s29+$0x720];
	(erf) = vpow2.f32 v57;
	v14 =	vpop (erf)  }
0x103: {  	v48 =	vmul.f32 $1.442695020e+00, v61;
	v57 =	vld [tilespmem:s29+$0x410];
	v39 =	vpop (erf);
	(erf) = vpow2.f32 v58  }
0x104: {  	v0 =	vmul.f32 $1.442695020e+00, v0;
	v58 =	vld [tilespmem:s29+$0x490];
	v40 =	vpop (erf);
	(erf) = vpow2.f32 v59  }
0x105: {  	v2 =	vmul.f32 $1.442695020e+00, v2;
	v59 =	vld [tilespmem:s29+$0x400];
	v41 =	vpop (erf);
	(erf) = vpow2.f32 v44  }
0x106: {  	v60 =	vld [tilespmem:s29+$0x480];
	v49 =	vmul.f32 $1.442695020e+00, v21;
	(erf) = vpow2.f32 v1;
	v44 =	vpop (erf)  }
0x107: {  	v43 =	vmul.f32 $1.442695020e+00, v25;
	v1 =	vld [tilespmem:s29+$0x500];
	(erf) = vpow2.f32 v3;
	v21 =	vpop (erf)  }
0x108: {  	v61 =	vld [tilespmem:s29+$0x580];
	v3 =	vmul.f32 $1.442695020e+00, v57;
	(erf) = vpow2.f32 v62;
	v25 =	vpop (erf)  }
0x109: {  	v53 =	vld [tilespmem:s29+$0x510];
	v62 =	vmul.f32 $1.442695020e+00, v58;
	v45 =	vpop (erf);
	(erf) = vpow2.f32 v46  }
0x10a: {  	v56 =	vld [tilespmem:s29+$0x590];
	v5 =	vmul.f32 $1.442695020e+00, v59;
	(erf) = vpow2.f32 v3;
	v46 =	vpop (erf)  }
0x10b: {  	v51 =	vld [tilespmem:s29+$0x610];
	v3 =	vmul.f32 $1.442695020e+00, v60;
	(erf) = vpow2.f32 v62;
	v47 =	vpop (erf)  }
0x10c: {  	v58 =	vld [tilespmem:s29+$0x690];
	v1 =	vmul.f32 $1.442695020e+00, v1;
	(erf) = vpow2.f32 v5;
	v50 =	vpop (erf)  }
0x10d: {  	v52 =	vmul.f32 $1.442695020e+00, v61;
	v60 =	vld [tilespmem:s29+$0x710];
	(erf) = vpow2.f32 v3;
	v37 =	vpop (erf)  }
0x10e: {  	v61 =	vld [tilespmem:s29+$0x790];
	v3 =	vmul.f32 $1.442695020e+00, v53;
	(erf) = vpow2.f32 v1;
	v38 =	vpop (erf)  }
0x10f: {  	v5 =	vld [tilespmem:s29+$0x680];
	v1 =	vmul.f32 $1.442695020e+00, v56;
	v53 =	vpop (erf);
	(erf) = vpow2.f32 v52  }
0x110: {  	v57 =	vmul.f32 $1.442695020e+00, v51;
	v62 =	vld [tilespmem:s29+$0x600];
	v56 =	vpop (erf);
	(erf) = vpow2.f32 v3  }
0x111: {  	v7 =	vld [tilespmem:s29+$0x780];
	v58 =	vmul.f32 $1.442695020e+00, v58;
	v59 =	vpop (erf);
	(erf) = vpow2.f32 v1  }
0x112: {  	p0 =	sne.s32 s7, $0x1F000;
	v6 =	vld [tilespmem:s29+$0x700];
	v51 =	vmul.f32 $1.442695020e+00, v60;
	v60 =	vpop (erf);
	(erf) = vpow2.f32 v0  }
.Ltmp0:
0x113: {  	v52 =	vmul.f32 $1.442695020e+00, v61;
	v1 =	vpop (erf);
	(erf) = vpow2.f32 v2;
	(pc) =	sbr.rel @p0 .LBB2_3-.Ltmp0, $4  }
0x114: {  	v61 =	vmul.f32 $1.442695020e+00, v5;
	v2 =	vpop (erf);
	(erf) = vpow2.f32 v54  }
0x115: {  	v0 =	vmul.f32 $1.442695020e+00, v62;
	v3 =	vpop (erf);
	(erf) = vpow2.f32 v55  }
0x116: {  	v54 =	vmul.f32 $1.442695020e+00, v7;
	v62 =	vpop (erf);
	(erf) = vpow2.f32 v63  }
0x117: {  	s7 =	sadd.s32 $0x1000, s7;
	v55 =	vmul.f32 $1.442695020e+00, v6;
	v63 =	vpop (erf);
	(erf) = vpow2.f32 v4  }
0x118: {  	v3 =	vadd.f32 v3, v30;
	v4 =	vadd.f32 v62, v32;
	v5 =	vpop (erf)  }
0x119: {  	v6 =	vadd.f32 v63, v33;
	v5 =	vadd.f32 v5, v34  }
0x11a: {  	(erf) = vpow2.f32 v48;
	v7 =	vpop (erf)  }
0x11b: {  	(erf) = vpow2.f32 v49;
	v2 =	vadd.f32 v2, v4;
	v4 =	vadd.f32 v7, v6  }
0x11c: {  	v1 =	vadd.f32 v1, v3;
	v3 =	vpop (erf);
	(erf) = vpow2.f32 v57  }
0x11d: {  	v3 =	vadd.f32 v3, v5;
	v5 =	vpop (erf);
	(erf) = vpow2.f32 v58  }
0x11e: {  	v1 =	vadd.f32 v59, v1;
	v6 =	vpop (erf);
	(erf) = vpow2.f32 v0  }
0x11f: {  	v2 =	vadd.f32 v60, v2;
	v0 =	vadd.f32 v5, v4;
	v4 =	vpop (erf);
	(erf) = vpow2.f32 v61  }
0x120: {  	v1 =	vadd.f32 v53, v1;
	v3 =	vadd.f32 v6, v3;
	v5 =	vpop (erf);
	(erf) = vpow2.f32 v55  }
0x121: {  	v2 =	vadd.f32 v56, v2;
	v0 =	vadd.f32 v4, v0;
	v4 =	vpop (erf);
	(erf) = vpow2.f32 v54  }
0x122: {  	v1 =	vadd.f32 v45, v1;
	v3 =	vadd.f32 v5, v3;
	v5 =	vpop (erf);
	(erf) = vpow2.f32 v51  }
0x123: {  	v2 =	vadd.f32 v46, v2;
	v6 =	vpop (erf);
	(erf) = vpow2.f32 v52  }
0x124: {  	v1 =	vadd.f32 v39, v1;
	v7 =	vpop (erf);
	(erf) = vpow2.f32 v43  }
0x125: {  	v2 =	vadd.f32 v40, v2;
	v30 =	vpop (erf);
	(erf) = vpow2.f32 v42  }
0x126: {  	v1 =	vadd.f32 v29, v1;
	v29 =	vpop (erf);
	(erf) = vpow2.f32 v28  }
0x127: {  	v2 =	vadd.f32 v31, v2;
	v28 =	vpop (erf);
	(erf) = vpow2.f32 v27  }
0x128: {  	v1 =	vadd.f32 v17, v1;
	v17 =	vpop (erf);
	(erf) = vpow2.f32 v16;
	v16 =	vadd.f32 v28, v26  }
0x129: {  	v2 =	vadd.f32 v18, v2;
	v18 =	vpop (erf);
	(erf) = vpow2.f32 v15;
	v15 =	vadd.f32 v17, v24  }
0x12a: {  	(erf) = vpow2.f32 v12;
	v16 =	vadd.f32 v30, v16  }
0x12b: {  	v12 =	vpop (erf);
	(erf) = vpow2.f32 v11;
	v11 =	vadd.f32 v29, v15  }
0x12c: {  	v6 =	vadd.f32 v6, v16;
	v16 =	vld [tilespmem:$0x1FFA0]  }
0x12d: {  	v12 =	vadd.f32 v12, v22;
	v7 =	vadd.f32 v7, v11;
	v11 =	vld [tilespmem:$0x1FF80];
	_ =	sdelay $0x1  }
0x12e: {  	v17 =	vadd.f32 v18, v23;
	v18 =	vpop (erf)  }
0x12f: {  	(erf) = vpow2.f32 v8;
	v8 =	vpop (erf)  }
0x130: {  	v0 =	vadd.f32 v47, v0;
	v8 =	vadd.f32 v8, v12;
	v12 =	vpop (erf);
	(erf) = vpow2.f32 v16  }
0x131: {  	v3 =	vadd.f32 v50, v3;
	v15 =	vadd.f32 v18, v17;
	(erf) = vpow2.f32 v11;
	v11 =	vpop (erf)  }
0x132: {  	v4 =	vadd.f32 v4, v6;
	v6 =	vadd.f32 v11, v8;
	v11 =	vld [tilespmem:$0x1FF90]  }
0x133: {  	v0 =	vadd.f32 v41, v0  }
0x134: {  	v3 =	vadd.f32 v44, v3;
	v12 =	vadd.f32 v12, v15;
	v8 =	vpop (erf)  }
0x135: {  	v0 =	vadd.f32 v35, v0;
	v5 =	vadd.f32 v5, v7;
	v7 =	vpop (erf)  }
0x136: {  	v8 =	vadd.f32 v8, v12;
	v6 =	vadd.f32 v7, v6;
	v7 =	vpop (erf)  }
0x137: {  	v3 =	vadd.f32 v36, v3;
	v4 =	vadd.f32 v37, v4;
	(erf) = vpow2.f32 v11;
	v11 =	vpop (erf)  }
0x138: {  	v5 =	vadd.f32 v38, v5;
	v6 =	vadd.f32 v11, v6  }
0x139: {  	v0 =	vadd.f32 v19, v0;
	v4 =	vadd.f32 v21, v4  }
0x13a: {  	v5 =	vadd.f32 v25, v5;
	v7 =	vadd.f32 v7, v8;
	v8 =	vpop (erf)  }
0x13b: {  	(xrf2) =	vadd.scan.msk.f32 $0xffff, v1;
	v3 =	vadd.f32 v20, v3;
	v4 =	vadd.f32 v13, v4;
	v11 =	vpop (erf)  }
0x13c: {  	(xrf2) =	vadd.scan.msk.f32 $0xffff, v2;
	v5 =	vadd.f32 v14, v5;
	v1 =	vadd.f32 v11, v6;
	v6 =	vpop (erf)  }
0x13d: {  	(xrf2) =	vadd.scan.msk.f32 $0xffff, v0;
	v4 =	vadd.f32 v9, v4;
	v7 =	vadd.f32 v8, v7;
	v2 =	vpop (erf)  }
0x13e: {  	(xrf2) =	vadd.scan.msk.f32 $0xffff, v3;
	v0 =	vadd.f32 v2, v1;
	v2 =	vadd.f32 v10, v5  }
0x13f: {  	(xrf2) =	vadd.scan.msk.f32 $0xffff, v4  }
0x140: {  	v6 =	vadd.f32 v6, v7;
	(xrf2) =	vadd.scan.msk.f32 $0xffff, v2;
	v2 =	vld [tilespmem:$0x1FF70]  }
0x141: {  	v1 =	vpop (erf)  }
0x142: {  	v1 =	vadd.f32 v1, v6;
	v3 =	vpop (erf)  }
0x143: {  	v4 =	vld [tilespmem:$0x1FFE0];
	v0 =	vadd.f32 v3, v0  }
0x144: {  	(xrf2) =	vadd.scan.msk.f32 $0xffff, v1  }
0x145: {  	(xrf2) =	vadd.scan.msk.f32 $0xffff, v0;
	v0 =	vshll.u32 v2, $0x3  }
0x146: {  	v2 =	vand.u32 $0x7F, v2;
	v3 =	vand.u32 $0xFFFFFC00, v0  }
0x147: {  	[tilespmem:$0x1FEF0] =	vst v2;
	v2 =	vor.u32 v2, v3  }
0x148: {  	v2 =	vadd.s32 v4, v2;
	_ =	sdelay $0x2  }
0x149: {  	v1, _, _ =	vpop (xrf2)  }
0x14a: {  	v0, _, _ =	vpop (xrf2)  }
0x14b: {  	[tilespmem:$0x1FF00] =	vst v3;
	v3, _, _ =	vpop (xrf2);
	v2 =	vld.idx.msk [tilespmem:v2+s30+$0x0], $0xff  }
0x14c: {  	v4, _, _ =	vpop (xrf2)  }
0x14d: {  	v5, _, _ =	vpop (xrf2)  }
0x14e: {  	v7, _, _ =	vpop (xrf2)  }
0x14f: {  	p0 =	seq.s32 s4, $0x1F;
	v8, _, _ =	vpop (xrf2)  }
0x150: {  	s7 =	simm.s32 @!p0 $0x3;
	v9, _, _ =	vpop (xrf2);
	[tilespmem:$0x1FF10] =	vst v2  }
0x151: {  	_ =	swait.ge @!p0 [sflag:s7], $0x8000  }
0x152: {  	s29 =	sshll.u32 @!p0 s4, $0x4;
	[sflag:s7] =	ssyncset.done @!p0 $0x0  }
0x153: {  	[sflag:s7] =	ssyncadd.s32 @!p0 $0xFFFF8000;
	s7 =	sand.u32 @!p0 $0x3FFFFFF0, s29  }
0x154: {  	v2 =	vld.msk @!p0 [tilespmem:s7+$0x10], $0xff;
	_ =	sdelay $0x4  }
0x155: {  	v10 =	vshll.u32 @!p0 v2, $0x5  }
0x156: {  	v11 =	vlaneseq.u32 @!p0;
	v2 =	vand.u32 @!p0 $0x7, v2;
	v10 =	vand.u32 @!p0 $0xFFFFFF00, v10  }
0x157: {  	v2 =	vor.u32 @!p0 v2, v10;
	v10 =	vand.u32 @!p0 $0x7, v11;
	v11 =	vshrl.u32 @!p0 v11, $0x3  }
0x158: {  	v2 =	vperm.xlane @!p0 v2, v10;
	v10 =	vmul.u32 @!p0 $0x8, v11;
	_ =	sdelay $0x1  }
0x159: {  	v2 =	vadd.s32 @!p0 v10, v2;
	_ =	sdelay $0x3  }
0x15a: {  	vm1 =	vmmov @!p0 $0xffff;
	s29 =	simm.s32 @!p0 $0x400;
	s7 =	simm.s32 @!p0 $0x0  }
0x15b: {  	[tilespmem:s29], [sflag:$0x1] =	stream.indirect_vreg.gather @!p0 [hbm4b:s1+s7], $0x80, v2, vm1, $0xb8;
	[tilespmem:$0x10800] =	vst v63  }
0x15c: {  	s29 =	simm.s32 @!p0 $0xC00  }
0x15d: {  	[tilespmem:s29], [sflag:$0x1] =	stream.indirect_vreg.gather @!p0 [hbm4b:s8+s7], $0x80, v2, vm1, $0xb8;
	[tilespmem:$0x10800] =	vst v63  }
0x15e: {  	s29 =	simm.s32 @!p0 $0x1400  }
0x15f: {  	[tilespmem:s29], [sflag:$0x1] =	stream.indirect_vreg.gather @!p0 [hbm4b:s9+s7], $0x80, v2, vm1, $0xb8;
	[tilespmem:$0x10800] =	vst v63  }
0x160: {  	s29 =	simm.s32 @!p0 $0x1C00  }
0x161: {  	[tilespmem:s29], [sflag:$0x1] =	stream.indirect_vreg.gather @!p0 [hbm4b:s10+s7], $0x80, v2, vm1, $0xb8;
	[tilespmem:$0x10800] =	vst v63  }
0x162: {  	s29 =	simm.s32 @!p0 $0x2400  }
0x163: {  	[tilespmem:s29], [sflag:$0x1] =	stream.indirect_vreg.gather @!p0 [hbm4b:s11+s7], $0x80, v2, vm1, $0xb8;
	[tilespmem:$0x10800] =	vst v63  }
0x164: {  	s29 =	simm.s32 @!p0 $0x2C00  }
0x165: {  	[tilespmem:s29], [sflag:$0x1] =	stream.indirect_vreg.gather @!p0 [hbm4b:s12+s7], $0x80, v2, vm1, $0xb8;
	[tilespmem:$0x10800] =	vst v63  }
0x166: {  	s29 =	simm.s32 @!p0 $0x3400  }
0x167: {  	[tilespmem:s29], [sflag:$0x1] =	stream.indirect_vreg.gather @!p0 [hbm4b:s13+s7], $0x80, v2, vm1, $0xb8;
	[tilespmem:$0x10800] =	vst v63  }
0x168: {  	s29 =	simm.s32 @!p0 $0x3C00  }
0x169: {  	[tilespmem:s29], [sflag:$0x1] =	stream.indirect_vreg.gather @!p0 [hbm4b:s14+s7], $0x80, v2, vm1, $0xb8;
	[tilespmem:$0x10800] =	vst v63  }
0x16a: {  	s29 =	simm.s32 @!p0 $0x4400  }
0x16b: {  	[tilespmem:s29], [sflag:$0x1] =	stream.indirect_vreg.gather @!p0 [hbm4b:s15+s7], $0x80, v2, vm1, $0xb8;
	[tilespmem:$0x10800] =	vst v63  }
0x16c: {  	s29 =	simm.s32 @!p0 $0x4C00  }
0x16d: {  	[tilespmem:s29], [sflag:$0x1] =	stream.indirect_vreg.gather @!p0 [hbm4b:s16+s7], $0x80, v2, vm1, $0xb8;
	[tilespmem:$0x10800] =	vst v63  }
0x16e: {  	s29 =	simm.s32 @!p0 $0x5400  }
0x16f: {  	[tilespmem:s29], [sflag:$0x1] =	stream.indirect_vreg.gather @!p0 [hbm4b:s17+s7], $0x80, v2, vm1, $0xb8;
	[tilespmem:$0x10800] =	vst v63  }
0x170: {  	s29 =	simm.s32 @!p0 $0x5C00  }
0x171: {  	[tilespmem:s29], [sflag:$0x1] =	stream.indirect_vreg.gather @!p0 [hbm4b:s18+s7], $0x80, v2, vm1, $0xb8;
	[tilespmem:$0x10800] =	vst v63  }
0x172: {  	s29 =	simm.s32 @!p0 $0x6400  }
0x173: {  	[tilespmem:s29], [sflag:$0x1] =	stream.indirect_vreg.gather @!p0 [hbm4b:s19+s7], $0x80, v2, vm1, $0xb8;
	[tilespmem:$0x10800] =	vst v63  }
0x174: {  	s29 =	simm.s32 @!p0 $0x6C00  }
0x175: {  	[tilespmem:s29], [sflag:$0x1] =	stream.indirect_vreg.gather @!p0 [hbm4b:s20+s7], $0x80, v2, vm1, $0xb8;
	[tilespmem:$0x10800] =	vst v63  }
0x176: {  	s29 =	simm.s32 @!p0 $0x7400  }
0x177: {  	[tilespmem:s29], [sflag:$0x1] =	stream.indirect_vreg.gather @!p0 [hbm4b:s26+s7], $0x80, v2, vm1, $0xb8;
	[tilespmem:$0x10800] =	vst v63  }
0x178: {  	s6 =	sshll.u32 s6, $0xF;
	s29 =	simm.s32 @!p0 $0x7C00  }
0x179: {  	[tilespmem:s29], [sflag:$0x1] =	stream.indirect_vreg.gather @!p0 [hbm4b:s28+s7], $0x80, v2, vm1, $0xb8;
	[tilespmem:$0x10800] =	vst v63  }
0x17a: {  	s6 =	sadd.s32 s22, s6;
	_ =	swait.ge [sflag:s31], $0x8000  }
0x17b: {  	s6 =	sshrl.u32 s6, $0x3;
	[sflag:s31] =	ssyncset.done $0x0  }
0x17c: {  	s6 =	sadd.s32 s2, s6;
	s29 =	simm.s32 $0x0;
	[sflag:s31] =	ssyncadd.s32 $0xFFFF8000  }
0x17d: {  	[hbm4b:s6+s29] =	stream.linear.scatter [tilespmem:s0], [sflag:$0x4], $0x8000, $0x38;
	[tilespmem:$0x10800] =	vst v63  }
0x17e: {  	s29 =	simm.s32 $0x0  }
0x17f: {  	v2 =	vld [tilespmem:s29+$0x8470]  }
0x180: {  	v10 =	vld [tilespmem:s29+$0x84F0]  }
0x181: {  	v12 =	vld [tilespmem:s29+$0x8570]  }
0x182: {  	v13 =	vld [tilespmem:s29+$0x85F0]  }
0x183: {  	v14 =	vld [tilespmem:s29+$0x8670]  }
0x184: {  	v15 =	vld [tilespmem:s29+$0x86F0]  }
0x185: {  	v16 =	vld [tilespmem:s29+$0x8770]  }
0x186: {  	v17 =	vld [tilespmem:s29+$0x87F0]  }
0x187: {  	v18 =	vld [tilespmem:s29+$0x8460]  }
0x188: {  	v20 =	vld [tilespmem:s29+$0x8560]  }
0x189: {  	v21 =	vld [tilespmem:s29+$0x85E0]  }
0x18a: {  	v37 =	vbroadcast v0, $0xF;
	v0 =	vld [tilespmem:s29+$0x8660]  }
0x18b: {  	v36 =	vbroadcast v1, $0xF;
	v1 =	vld [tilespmem:s29+$0x86E0]  }
0x18c: {  	v34 =	vbroadcast v3, $0xF;
	v3 =	vld [tilespmem:s29+$0x8760]  }
0x18d: {  	v29 =	vbroadcast v4, $0xF;
	v28 =	vbroadcast v5, $0xF;
	v4 =	vld [tilespmem:s29+$0x87E0]  }
0x18e: {  	v22 =	vld [tilespmem:s29+$0x8450];
	v2 =	vmul.f32 $1.442695020e+00, v2;
	v5 =	vmul.f32 $1.442695020e+00, v10  }
0x18f: {  	v23 =	vld [tilespmem:s29+$0x84D0];
	v12 =	vmul.f32 $1.442695020e+00, v12;
	v13 =	vmul.f32 $1.442695020e+00, v13  }
0x190: {  	v48 =	vld [tilespmem:s29+$0x8540];
	v25 =	vmul.f32 $1.442695020e+00, v14;
	v26 =	vmul.f32 $1.442695020e+00, v15  }
0x191: {  	v54 =	vld [tilespmem:s29+$0x85A0];
	v6 =	vmul.f32 $1.442695020e+00, v16;
	v16 =	vmul.f32 $1.442695020e+00, v18  }
0x192: {  	v19 =	vld [tilespmem:s29+$0x84E0];
	v20 =	vmul.f32 $1.442695020e+00, v20;
	v21 =	vmul.f32 $1.442695020e+00, v21  }
0x193: {  	v31 =	vld [tilespmem:s29+$0x84C0];
	v0 =	vmul.f32 $1.442695020e+00, v0;
	v1 =	vmul.f32 $1.442695020e+00, v1  }
0x194: {  	v14 =	vld [tilespmem:s29+$0x8550];
	v3 =	vmul.f32 $1.442695020e+00, v3;
	v4 =	vmul.f32 $1.442695020e+00, v4  }
0x195: {  	v15 =	vld [tilespmem:s29+$0x85D0];
	v22 =	vmul.f32 $1.442695020e+00, v22;
	v23 =	vmul.f32 $1.442695020e+00, v23  }
0x196: {  	v18 =	vld [tilespmem:s29+$0x8650];
	v51 =	vmul.f32 $1.442695020e+00, v48;
	v27 =	vmul.f32 $1.442695020e+00, v54  }
0x197: {  	v30 =	vld [tilespmem:s29+$0x8750];
	[tilespmem:$0x1FF20] =	vst v6;
	v6 =	vmul.f32 $1.442695020e+00, v17;
	(erf) = vpow2.f32 v2  }
0x198: {  	v17 =	vmul.f32 $1.442695020e+00, v19;
	v19 =	vld [tilespmem:s29+$0x86D0];
	(erf) = vpow2.f32 v5  }
0x199: {  	[tilespmem:$0x1FF40] =	vst v3;
	v3 =	vld [tilespmem:s29+$0x87D0];
	v5 =	vmul.f32 $1.442695020e+00, v31;
	(erf) = vpow2.f32 v12  }
0x19a: {  	[tilespmem:$0x1FF50] =	vst v4;
	v4 =	vld [tilespmem:s29+$0x8440];
	v46 =	vmul.f32 $1.442695020e+00, v14;
	v47 =	vmul.f32 $1.442695020e+00, v15  }
0x19b: {  	v2 =	vld [tilespmem:s29+$0x8640];
	v49 =	vmul.f32 $1.442695020e+00, v18;
	(erf) = vpow2.f32 v13  }
0x19c: {  	v12 =	vld [tilespmem:s29+$0x8740];
	v15 =	vmul.f32 $1.442695020e+00, v30;
	(erf) = vpow2.f32 v25  }
0x19d: {  	v18 =	vld [tilespmem:s29+$0x85C0];
	v50 =	vmul.f32 $1.442695020e+00, v19;
	(erf) = vpow2.f32 v26  }
0x19e: {  	v13 =	vld [tilespmem:s29+$0x87C0];
	v14 =	vmul.f32 $1.442695020e+00, v3;
	(erf) = vpow2.f32 v16  }
0x19f: {  	v25 =	vld [tilespmem:s29+$0x8430];
	v3 =	vmul.f32 $1.442695020e+00, v4;
	(erf) = vpow2.f32 v17  }
0x1a0: {  	v26 =	vld [tilespmem:s29+$0x84B0];
	v2 =	vmul.f32 $1.442695020e+00, v2;
	(erf) = vpow2.f32 v20  }
0x1a1: {  	v16 =	vld [tilespmem:s29+$0x8530];
	v19 =	vmul.f32 $1.442695020e+00, v12;
	(erf) = vpow2.f32 v21  }
0x1a2: {  	v12 =	vld [tilespmem:s29+$0x8630];
	v52 =	vmul.f32 $1.442695020e+00, v18;
	(erf) = vpow2.f32 v0  }
0x1a3: {  	v18 =	vmul.f32 $1.442695020e+00, v13;
	v13 =	vld [tilespmem:s29+$0x86B0];
	v20 =	vpop (erf);
	(erf) = vpow2.f32 v1  }
0x1a4: {  	v17 =	vld [tilespmem:s29+$0x85B0];
	v25 =	vmul.f32 $1.442695020e+00, v25;
	v21 =	vpop (erf);
	(erf) = vpow2.f32 v22  }
0x1a5: {  	v4 =	vld [tilespmem:s29+$0x86C0];
	v0 =	vmul.f32 $1.442695020e+00, v26;
	v22 =	vpop (erf);
	(erf) = vpow2.f32 v23  }
0x1a6: {  	v26 =	vld [tilespmem:s29+$0x8730];
	v57 =	vmul.f32 $1.442695020e+00, v16;
	v23 =	vpop (erf);
	(erf) = vpow2.f32 v46  }
0x1a7: {  	[tilespmem:$0x1FF30] =	vst v6;
	v1 =	vld [tilespmem:s29+$0x87B0];
	v6 =	vmul.f32 $1.442695020e+00, v12;
	v12 =	vpop (erf);
	(erf) = vpow2.f32 v47  }
0x1a8: {  	v16 =	vld [tilespmem:s29+$0x8420];
	v24 =	vmul.f32 $1.442695020e+00, v13;
	v13 =	vpop (erf);
	(erf) = vpow2.f32 v49  }
0x1a9: {  	v58 =	vmul.f32 $1.442695020e+00, v17;
	v17 =	vld [tilespmem:s29+$0x84A0];
	v32 =	vpop (erf);
	(erf) = vpow2.f32 v50  }
0x1aa: {  	v60 =	vld [tilespmem:s29+$0x87A0];
	v4 =	vmul.f32 $1.442695020e+00, v4;
	v33 =	vpop (erf);
	(erf) = vpow2.f32 v3  }
0x1ab: {  	v59 =	vld [tilespmem:s29+$0x8720];
	v31 =	vmul.f32 $1.442695020e+00, v26;
	v35 =	vpop (erf);
	(erf) = vpow2.f32 v5  }
0x1ac: {  	v26 =	vld [tilespmem:s29+$0x8620];
	v30 =	vmul.f32 $1.442695020e+00, v1;
	v39 =	vpop (erf);
	(erf) = vpow2.f32 v51  }
0x1ad: {  	v61 =	vld [tilespmem:s29+$0x8410];
	v1 =	vmul.f32 $1.442695020e+00, v16;
	v16 =	vpop (erf);
	(erf) = vpow2.f32 v52  }
0x1ae: {  	v56 =	vld [tilespmem:s29+$0x8490];
	v3 =	vmul.f32 $1.442695020e+00, v17;
	v17 =	vpop (erf);
	(erf) = vpow2.f32 v2  }
0x1af: {  	v45 =	vmul.f32 $1.442695020e+00, v60;
	v42 =	vpop (erf);
	v2 =	vld [tilespmem:s29+$0x8400];
	(erf) = vpow2.f32 v4  }
0x1b0: {  	v46 =	vmul.f32 $1.442695020e+00, v59;
	v43 =	vpop (erf);
	v4 =	vld [tilespmem:s29+$0x8480];
	(erf) = vpow2.f32 v25  }
0x1b1: {  	v59 =	vld [tilespmem:s29+$0x8500];
	v51 =	vmul.f32 $1.442695020e+00, v26;
	v44 =	vpop (erf);
	(erf) = vpow2.f32 v0  }
0x1b2: {  	v47 =	vpop (erf);
	v0 =	vmul.f32 $1.442695020e+00, v61;
	(erf) = vpow2.f32 v1  }
0x1b3: {  	v53 =	vld [tilespmem:s29+$0x8520];
	v25 =	vpop (erf);
	v1 =	vmul.f32 $1.442695020e+00, v56;
	(erf) = vpow2.f32 v3  }
0x1b4: {  	v55 =	vld [tilespmem:s29+$0x86A0];
	v26 =	vpop (erf);
	v2 =	vmul.f32 $1.442695020e+00, v2;
	(erf) = vpow2.f32 v0  }
0x1b5: {  	v60 =	vld [tilespmem:s29+$0x8580];
	v48 =	vpop (erf);
	v0 =	vmul.f32 $1.442695020e+00, v4;
	(erf) = vpow2.f32 v1  }
0x1b6: {  	v54 =	vld [tilespmem:s29+$0x8710];
	v49 =	vpop (erf);
	v1 =	vmul.f32 $1.442695020e+00, v59;
	(erf) = vpow2.f32 v2  }
0x1b7: {  	v61 =	vld [tilespmem:s29+$0x8510];
	v50 =	vpop (erf);
	(erf) = vpow2.f32 v0  }
0x1b8: {  	v5 =	vmul.f32 $1.442695020e+00, v53;
	v53 =	vpop (erf);
	(erf) = vpow2.f32 v1;
	v1 =	vld [tilespmem:$0x1FFD0]  }
0x1b9: {  	v3 =	vld [tilespmem:s29+$0x8590]  }
0x1ba: {  	v4 =	vld [tilespmem:s29+$0x8610]  }
0x1bb: {  	v62 =	vbroadcast v7, $0xF;
	v52 =	vmul.f32 $1.442695020e+00, v55;
	v55 =	vld [tilespmem:s29+$0x8790]  }
0x1bc: {  	v63 =	vbroadcast v8, $0xF;
	v11 =	vbroadcast v9, $0xF;
	v38 =	vld [tilespmem:s29+$0x8690]  }
0x1bd: {  	v54 =	vmul.f32 $1.442695020e+00, v54;
	v2 =	vmul.f32 $1.442695020e+00, v60;
	vm1 =	vnez.u8 v1  }
0x1be: {  	v0 =	vmul.f32 $1.442695020e+00, v61;
	v40 =	vpop (erf);
	v3 =	vmul.f32 $1.442695020e+00, v3;
	v1 =	vsel vm1, v36, v37  }
0x1bf: {  	(erf) = vpow2.f32 v2;
	v41 =	vpop (erf);
	v60 =	vmul.f32 $1.442695020e+00, v4;
	v4 =	vld [tilespmem:s29+$0x8680];
	v1 =	vsel vm2, v1, v34  }
0x1c0: {  	v55 =	vmul.f32 $1.442695020e+00, v55;
	(erf) = vpow2.f32 v0;
	v56 =	vpop (erf);
	v36 =	vld [tilespmem:s29+$0x8600];
	v0 =	vsel vm3, v1, v29  }
0x1c1: {  	v61 =	vmul.f32 $1.442695020e+00, v38;
	(erf) = vpow2.f32 v3;
	v59 =	vpop (erf);
	v29 =	vld [tilespmem:s29+$0x8700];
	v0 =	vsel vm4, v0, v28  }
0x1c2: {  	v38 =	vimm.f32 $0.0e+00;
	(erf) = vpow2.f32 v5;
	v28 =	vld [tilespmem:s29+$0x8780];
	v0 =	vsel vm5, v0, v62;
	v62 =	vpop (erf)  }
0x1c3: {  	(erf) = vpow2.f32 v27;
	v27 =	vimm.f32 $0.0e+00;
	v0 =	vsel vm6, v0, v63;
	v63 =	vpop (erf)  }
0x1c4: {  	v37 =	vimm.f32 $0.0e+00;
	v34 =	vimm.f32 $0.0e+00;
	(erf) = vpow2.f32 v57;
	v2 =	vpop (erf)  }
0x1c5: {  	v1 =	vmul.f32 $1.442695020e+00, v36;
	v0 =	vsel vm8, v0, v11;
	(erf) = vpow2.f32 v58;
	v3 =	vpop (erf)  }
0x1c6: {  	v36 =	vimm.f32 $0.0e+00;
	[tilespmem:$0x1FF60] =	vst v0;
	v0 =	vmul.f32 $1.442695020e+00, v4;
	v58 =	vmul.f32 $1.442695020e+00, v29;
	v4 =	vpop (erf)  }
0x1c7: {  	(erf) = vpow2.f32 v6;
	v29 =	vimm.f32 $0.0e+00;
	v57 =	vmul.f32 $1.442695020e+00, v28;
	v11 =	vpop (erf)  }
0x1c8: {  	s6 =	simm.s32 $0x1000;
	(erf) = vpow2.f32 v24;
	v28 =	vimm.f32 $0.0e+00;
	v24 =	vimm.f32 $0.0e+00;
	v5 =	vpop (erf)  }
.LBB2_5:
0x1c9: {  	v7 =	vadd.f32 v4, v34  }
0x1ca: {  	v8 =	vadd.f32 v11, v36;
	v11 =	vpop (erf);
	(erf) = vpow2.f32 v51;
	v5 =	vadd.f32 v5, v38  }
0x1cb: {  	v9 =	vadd.f32 v11, v37;
	v51 =	vpop (erf);
	(erf) = vpow2.f32 v52;
	v2 =	vadd.f32 v2, v7  }
0x1cc: {  	v3 =	vadd.f32 v3, v8;
	v4 =	vpop (erf);
	(erf) = vpow2.f32 v60;
	v7 =	vadd.f32 v51, v5  }
0x1cd: {  	v4 =	vadd.f32 v4, v9;
	v6 =	vpop (erf);
	(erf) = vpow2.f32 v61;
	v2 =	vadd.f32 v62, v2  }
0x1ce: {  	v11 =	vpop (erf);
	(erf) = vpow2.f32 v1;
	v1 =	vadd.f32 v6, v7  }
0x1cf: {  	v6 =	vadd.f32 v11, v4;
	v5 =	vpop (erf);
	(erf) = vpow2.f32 v0;
	v0 =	vadd.f32 v56, v2  }
0x1d0: {  	v8 =	vadd.f32 v63, v3;
	v3 =	vpop (erf);
	(erf) = vpow2.f32 v58  }
0x1d1: {  	v1 =	vadd.f32 v5, v1;
	v4 =	vpop (erf);
	(erf) = vpow2.f32 v57;
	v0 =	vadd.f32 v48, v0  }
0x1d2: {  	v3 =	vadd.f32 v3, v6;
	v5 =	vpop (erf);
	(erf) = vpow2.f32 v54  }
0x1d3: {  	v1 =	vadd.f32 v50, v1;
	v6 =	vpop (erf);
	(erf) = vpow2.f32 v55;
	v0 =	vadd.f32 v42, v0  }
0x1d4: {  	v2 =	vadd.f32 v59, v8;
	v11 =	vpop (erf);
	(erf) = vpow2.f32 v46  }
0x1d5: {  	v1 =	vadd.f32 v44, v1;
	v63 =	vpop (erf);
	(erf) = vpow2.f32 v45;
	v7 =	vadd.f32 v32, v0  }
0x1d6: {  	v2 =	vadd.f32 v49, v2;
	v49 =	vpop (erf);
	(erf) = vpow2.f32 v31  }
0x1d7: {  	v50 =	vpop (erf);
	(erf) = vpow2.f32 v30;
	v34 =	vadd.f32 v20, v7;
	v7 =	vld [tilespmem:$0x1FF40]  }
0x1d8: {  	s7 =	sshra.s32 s6, $0x2;
	v0 =	vpop (erf);
	(erf) = vpow2.f32 v19  }
0x1d9: {  	v9 =	vld [tilespmem:s7+$0x84E0];
	v8 =	vadd.f32 v35, v1;
	v1 =	vpop (erf);
	(erf) = vpow2.f32 v18  }
0x1da: {  	v62 =	vld [tilespmem:s7+$0x8470];
	v18 =	vadd.f32 v50, v29;
	(erf) = vpow2.f32 v15;
	v15 =	vpop (erf)  }
0x1db: {  	v48 =	vld [tilespmem:s7+$0x84F0];
	v3 =	vadd.f32 v53, v3;
	v2 =	vadd.f32 v43, v2;
	v20 =	vpop (erf);
	(erf) = vpow2.f32 v14  }
0x1dc: {  	v18 =	vadd.f32 v63, v18;
	(erf) = vpow2.f32 v7;
	v7 =	vld [tilespmem:$0x1FF50]  }
0x1dd: {  	v3 =	vadd.f32 v47, v3;
	v2 =	vadd.f32 v33, v2;
	v31 =	vld [tilespmem:s7+$0x8570]  }
0x1de: {  	v30 =	vld [tilespmem:s7+$0x85F0];
	v6 =	vadd.f32 v6, v18  }
0x1df: {  	v3 =	vadd.f32 v39, v3;
	v36 =	vadd.f32 v21, v2;
	v2 =	vld [tilespmem:s7+$0x8670]  }
0x1e0: {  	v38 =	vadd.f32 v22, v8;
	v19 =	vld [tilespmem:s7+$0x8770];
	v10 =	vpop (erf);
	v4 =	vadd.f32 v4, v6  }
0x1e1: {  	v0 =	vadd.f32 v0, v28;
	v22 =	vadd.f32 v15, v24;
	v15 =	vpop (erf);
	(erf) = vpow2.f32 v7;
	v7 =	vld [tilespmem:$0x1FF20]  }
0x1e2: {  	v21 =	vld [tilespmem:s7+$0x8460];
	v1 =	vadd.f32 v1, v27;
	v4 =	vadd.f32 v40, v4  }
0x1e3: {  	v37 =	vadd.f32 v23, v3;
	v3 =	vld [tilespmem:s7+$0x86F0];
	v0 =	vadd.f32 v49, v0  }
0x1e4: {  	v14 =	vld [tilespmem:s7+$0x87F0];
	v1 =	vadd.f32 v20, v1;
	v4 =	vadd.f32 v25, v4  }
0x1e5: {  	v20 =	vadd.f32 v10, v22;
	v0 =	vadd.f32 v11, v0;
	v11 =	vld [tilespmem:s7+$0x8560]  }
0x1e6: {  	v8 =	vpop (erf);
	v4 =	vadd.f32 v16, v4;
	(erf) = vpow2.f32 v7;
	v7 =	vld [tilespmem:$0x1FF30]  }
0x1e7: {  	v22 =	vmul.f32 $1.442695020e+00, v31;
	v31 =	vld [tilespmem:s7+$0x87E0];
	v1 =	vadd.f32 v15, v1;
	v23 =	vadd.f32 v8, v20  }
0x1e8: {  	v10 =	vpop (erf);
	v0 =	vadd.f32 v5, v0;
	v29 =	vadd.f32 v12, v4;
	v12 =	vld [tilespmem:s7+$0x8650]  }
0x1e9: {  	v15 =	vld [tilespmem:s7+$0x85E0];
	v5 =	vpop (erf);
	v1 =	vadd.f32 v10, v1  }
0x1ea: {  	v5 =	vadd.f32 v5, v23;
	v0 =	vadd.f32 v41, v0;
	v23 =	vmul.f32 $1.442695020e+00, v30;
	v30 =	vld [tilespmem:s7+$0x8760]  }
0x1eb: {  	v18 =	vmul.f32 $1.442695020e+00, v62;
	v25 =	vld [tilespmem:s7+$0x8450];
	(erf) = vpow2.f32 v7;
	v7 =	vpop (erf)  }
0x1ec: {  	v2 =	vmul.f32 $1.442695020e+00, v2;
	v0 =	vadd.f32 v26, v0;
	v26 =	vld [tilespmem:s7+$0x84D0];
	v8 =	vpop (erf);
	v1 =	vadd.f32 v7, v1  }
0x1ed: {  	v3 =	vmul.f32 $1.442695020e+00, v3;
	v51 =	vmul.f32 $1.442695020e+00, v12;
	v12 =	vld [tilespmem:s7+$0x85C0];
	v7 =	vpop (erf)  }
0x1ee: {  	v10 =	vld [tilespmem:s7+$0x86E0];
	v5 =	vadd.f32 v8, v5;
	v1 =	vadd.f32 v7, v1;
	v7 =	vmul.f32 $1.442695020e+00, v19  }
0x1ef: {  	v6 =	vmul.f32 $1.442695020e+00, v48;
	v20 =	vld [tilespmem:s7+$0x8660];
	v4 =	vmul.f32 $1.442695020e+00, v9;
	v8 =	vpop (erf)  }
0x1f0: {  	v5 =	vadd.f32 v8, v5;
	v24 =	vpop (erf);
	v8 =	vadd.f32 v17, v0;
	v17 =	vld [tilespmem:s7+$0x8550];
	[tilespmem:$0x1FF20] =	vst v7;
	v7 =	vmul.f32 $1.442695020e+00, v14  }
0x1f1: {  	v25 =	vmul.f32 $1.442695020e+00, v25;
	v26 =	vmul.f32 $1.442695020e+00, v26;
	v19 =	vld [tilespmem:s7+$0x85D0];
	v16 =	vpop (erf);
	v1 =	vadd.f32 v24, v1  }
0x1f2: {  	v54 =	vmul.f32 $1.442695020e+00, v12;
	v12 =	vld [tilespmem:s7+$0x8530];
	v5 =	vadd.f32 v16, v5;
	[tilespmem:$0x1FF30] =	vst v7;
	v7 =	vmul.f32 $1.442695020e+00, v30  }
0x1f3: {  	v14 =	vpop (erf);
	v16 =	vmul.f32 $1.442695020e+00, v21;
	v28 =	vadd.f32 v13, v8;
	v13 =	vmul.f32 $1.442695020e+00, v10;
	v21 =	vld [tilespmem:s7+$0x8440]  }
0x1f4: {  	v27 =	vadd.f32 v14, v1;
	v1 =	vmul.f32 $1.442695020e+00, v15;
	v14 =	vld [tilespmem:s7+$0x8750];
	[tilespmem:$0x1FF40] =	vst v7;
	v7 =	vmul.f32 $1.442695020e+00, v31  }
0x1f5: {  	v30 =	vld [tilespmem:s7+$0x84C0];
	v0 =	vpop (erf);
	v17 =	vmul.f32 $1.442695020e+00, v17;
	(erf) = vpow2.f32 v18  }
0x1f6: {  	v24 =	vadd.f32 v0, v5;
	v0 =	vmul.f32 $1.442695020e+00, v11;
	v11 =	vmul.f32 $1.442695020e+00, v20;
	v20 =	vld [tilespmem:s7+$0x87D0]  }
0x1f7: {  	v31 =	vmul.f32 $1.442695020e+00, v19;
	v19 =	vld [tilespmem:s7+$0x8540];
	(erf) = vpow2.f32 v6  }
0x1f8: {  	v18 =	vld [tilespmem:s7+$0x8640];
	v57 =	vmul.f32 $1.442695020e+00, v12;
	v6 =	vmul.f32 $1.442695020e+00, v21  }
0x1f9: {  	v5 =	vld [tilespmem:s7+$0x86D0];
	(erf) = vpow2.f32 v22;
	v15 =	vmul.f32 $1.442695020e+00, v14  }
0x1fa: {  	v21 =	vld [tilespmem:s7+$0x8740];
	v52 =	vmul.f32 $1.442695020e+00, v30;
	(erf) = vpow2.f32 v23  }
0x1fb: {  	(erf) = vpow2.f32 v2;
	v14 =	vmul.f32 $1.442695020e+00, v20;
	v20 =	vld [tilespmem:s7+$0x86C0]  }
0x1fc: {  	v22 =	vld [tilespmem:s7+$0x87C0];
	v53 =	vmul.f32 $1.442695020e+00, v19;
	(erf) = vpow2.f32 v3  }
0x1fd: {  	v2 =	vld [tilespmem:s7+$0x8430];
	v55 =	vmul.f32 $1.442695020e+00, v18;
	(erf) = vpow2.f32 v16  }
0x1fe: {  	v3 =	vld [tilespmem:s7+$0x84B0];
	v5 =	vmul.f32 $1.442695020e+00, v5;
	(erf) = vpow2.f32 v4  }
0x1ff: {  	v4 =	vld [tilespmem:s7+$0x85B0];
	v19 =	vmul.f32 $1.442695020e+00, v21;
	(erf) = vpow2.f32 v0  }
0x200: {  	v16 =	vld [tilespmem:s7+$0x87B0];
	v60 =	vmul.f32 $1.442695020e+00, v20;
	v20 =	vpop (erf);
	(erf) = vpow2.f32 v1  }
0x201: {  	v18 =	vmul.f32 $1.442695020e+00, v22;
	v0 =	vld [tilespmem:s7+$0x8630];
	v21 =	vpop (erf);
	(erf) = vpow2.f32 v11  }
0x202: {  	v1 =	vmul.f32 $1.442695020e+00, v2;
	v2 =	vld [tilespmem:s7+$0x86B0];
	v22 =	vpop (erf);
	(erf) = vpow2.f32 v13  }
0x203: {  	v3 =	vmul.f32 $1.442695020e+00, v3;
	v11 =	vld [tilespmem:s7+$0x8730];
	(erf) = vpow2.f32 v25;
	v23 =	vpop (erf)  }
0x204: {  	v58 =	vmul.f32 $1.442695020e+00, v4;
	v4 =	vld [tilespmem:s7+$0x84A0];
	(erf) = vpow2.f32 v26;
	v12 =	vpop (erf)  }
0x205: {  	v30 =	vmul.f32 $1.442695020e+00, v16;
	v25 =	vld [tilespmem:s7+$0x8420];
	(erf) = vpow2.f32 v17;
	v13 =	vpop (erf)  }
0x206: {  	[tilespmem:$0x1FF50] =	vst v7;
	v7 =	vmul.f32 $1.442695020e+00, v0;
	v0 =	vld [tilespmem:s7+$0x8520];
	v32 =	vpop (erf);
	(erf) = vpow2.f32 v31  }
0x207: {  	v26 =	vld [tilespmem:s7+$0x87A0];
	v8 =	vmul.f32 $1.442695020e+00, v2;
	v33 =	vpop (erf);
	(erf) = vpow2.f32 v51  }
0x208: {  	v2 =	vld [tilespmem:s7+$0x85A0];
	v31 =	vmul.f32 $1.442695020e+00, v11;
	v35 =	vpop (erf);
	(erf) = vpow2.f32 v5  }
0x209: {  	v11 =	vld [tilespmem:s7+$0x8620];
	v4 =	vmul.f32 $1.442695020e+00, v4;
	(erf) = vpow2.f32 v6;
	v39 =	vpop (erf)  }
0x20a: {  	v5 =	vmul.f32 $1.442695020e+00, v25;
	v25 =	vld [tilespmem:s7+$0x86A0];
	(erf) = vpow2.f32 v52;
	v16 =	vpop (erf)  }
0x20b: {  	v0 =	vmul.f32 $1.442695020e+00, v0;
	v6 =	vld [tilespmem:s7+$0x8720];
	(erf) = vpow2.f32 v53;
	v17 =	vpop (erf)  }
0x20c: {  	v61 =	vld [tilespmem:s7+$0x8410];
	v45 =	vmul.f32 $1.442695020e+00, v26;
	v42 =	vpop (erf);
	(erf) = vpow2.f32 v54  }
0x20d: {  	v9 =	vmul.f32 $1.442695020e+00, v2;
	v2 =	vld [tilespmem:s7+$0x8490];
	v43 =	vpop (erf);
	(erf) = vpow2.f32 v55  }
0x20e: {  	v51 =	vmul.f32 $1.442695020e+00, v11;
	v11 =	vld [tilespmem:s7+$0x8400];
	v44 =	vpop (erf);
	(erf) = vpow2.f32 v60  }
0x20f: {  	v62 =	vld [tilespmem:s7+$0x8480];
	v52 =	vmul.f32 $1.442695020e+00, v25;
	(erf) = vpow2.f32 v1;
	v47 =	vpop (erf)  }
0x210: {  	v46 =	vmul.f32 $1.442695020e+00, v6;
	v1 =	vld [tilespmem:s7+$0x8500];
	(erf) = vpow2.f32 v3;
	v25 =	vpop (erf)  }
0x211: {  	v6 =	vld [tilespmem:s7+$0x8580];
	v3 =	vmul.f32 $1.442695020e+00, v61;
	(erf) = vpow2.f32 v5;
	v26 =	vpop (erf)  }
0x212: {  	v2 =	vmul.f32 $1.442695020e+00, v2;
	v5 =	vld [tilespmem:s7+$0x8510];
	v48 =	vpop (erf);
	(erf) = vpow2.f32 v4  }
0x213: {  	v4 =	vmul.f32 $1.442695020e+00, v11;
	v11 =	vld [tilespmem:s7+$0x8590];
	(erf) = vpow2.f32 v3;
	v49 =	vpop (erf)  }
0x214: {  	v63 =	vld [tilespmem:s7+$0x8610];
	v3 =	vmul.f32 $1.442695020e+00, v62;
	(erf) = vpow2.f32 v2;
	v50 =	vpop (erf)  }
0x215: {  	v1 =	vmul.f32 $1.442695020e+00, v1;
	v2 =	vld [tilespmem:s7+$0x8690];
	(erf) = vpow2.f32 v4;
	v53 =	vpop (erf)  }
0x216: {  	v4 =	vmul.f32 $1.442695020e+00, v6;
	v6 =	vld [tilespmem:s7+$0x8710];
	(erf) = vpow2.f32 v3;
	v40 =	vpop (erf)  }
0x217: {  	v3 =	vmul.f32 $1.442695020e+00, v5;
	v5 =	vld [tilespmem:s7+$0x8790];
	(erf) = vpow2.f32 v1;
	v41 =	vpop (erf)  }
0x218: {  	v1 =	vmul.f32 $1.442695020e+00, v11;
	v11 =	vld [tilespmem:s7+$0x8600];
	v56 =	vpop (erf);
	(erf) = vpow2.f32 v4  }
0x219: {  	v60 =	vmul.f32 $1.442695020e+00, v63;
	v4 =	vld [tilespmem:s7+$0x8680];
	v59 =	vpop (erf);
	(erf) = vpow2.f32 v3  }
0x21a: {  	v10 =	vld [tilespmem:s7+$0x8700];
	v61 =	vmul.f32 $1.442695020e+00, v2;
	v62 =	vpop (erf);
	(erf) = vpow2.f32 v1  }
0x21b: {  	p0 =	sne.s32 s6, $0x1F000;
	v54 =	vmul.f32 $1.442695020e+00, v6;
	v6 =	vld [tilespmem:s7+$0x8780];
	v63 =	vpop (erf);
	(erf) = vpow2.f32 v0  }
.Ltmp1:
0x21c: {  	v55 =	vmul.f32 $1.442695020e+00, v5;
	v2 =	vpop (erf);
	(erf) = vpow2.f32 v9;
	(pc) =	sbr.rel @p0 .LBB2_5-.Ltmp1, $4  }
0x21d: {  	v1 =	vmul.f32 $1.442695020e+00, v11;
	v3 =	vpop (erf);
	(erf) = vpow2.f32 v57  }
0x21e: {  	v0 =	vmul.f32 $1.442695020e+00, v4;
	v4 =	vpop (erf);
	(erf) = vpow2.f32 v58  }
0x21f: {  	v58 =	vmul.f32 $1.442695020e+00, v10;
	v11 =	vpop (erf);
	(erf) = vpow2.f32 v7  }
0x220: {  	s6 =	sadd.s32 $0x1000, s6;
	v57 =	vmul.f32 $1.442695020e+00, v6;
	v5 =	vpop (erf);
	(erf) = vpow2.f32 v8  }
0x221: {  	v4 =	vadd.f32 v4, v34  }
0x222: {  	v6 =	vadd.f32 v11, v36;
	(erf) = vpow2.f32 v51;
	v7 =	vpop (erf)  }
0x223: {  	(erf) = vpow2.f32 v52;
	v34 =	vpop (erf);
	v2 =	vadd.f32 v2, v4  }
0x224: {  	v3 =	vadd.f32 v3, v6;
	(erf) = vpow2.f32 v60;
	v36 =	vpop (erf)  }
0x225: {  	v7 =	vadd.f32 v7, v37;
	(erf) = vpow2.f32 v61;
	v37 =	vpop (erf);
	v2 =	vadd.f32 v62, v2  }
0x226: {  	v3 =	vadd.f32 v63, v3;
	(erf) = vpow2.f32 v1;
	v51 =	vpop (erf)  }
0x227: {  	v5 =	vadd.f32 v5, v38;
	v52 =	vadd.f32 v56, v2;
	v56 =	vpop (erf)  }
0x228: {  	v3 =	vadd.f32 v59, v3;
	v59 =	vpop (erf)  }
0x229: {  	v4 =	vadd.f32 v34, v5;
	v5 =	vadd.f32 v36, v7;
	v60 =	vpop (erf)  }
0x22a: {  	v61 =	vpop (erf)  }
0x22b: {  	v38 =	vadd.f32 v37, v4;
	v4 =	vadd.f32 v51, v5;
	(erf) = vpow2.f32 v0;
	v62 =	vpop (erf)  }
0x22c: {  	v63 =	vpop (erf)  }
0x22d: {  	(erf) = vpow2.f32 v58;
	v1 =	vadd.f32 v56, v38;
	v2 =	vadd.f32 v59, v4;
	v8 =	vpop (erf)  }
0x22e: {  	(erf) = vpow2.f32 v57;
	v0 =	vadd.f32 v48, v52;
	v3 =	vadd.f32 v49, v3;
	v9 =	vpop (erf)  }
0x22f: {  	(erf) = vpow2.f32 v54;
	v1 =	vadd.f32 v50, v1;
	v2 =	vadd.f32 v53, v2;
	v10 =	vpop (erf)  }
0x230: {  	(erf) = vpow2.f32 v55;
	v3 =	vadd.f32 v43, v3;
	v10 =	vadd.f32 v10, v29  }
0x231: {  	v0 =	vadd.f32 v42, v0;
	(erf) = vpow2.f32 v46;
	v1 =	vadd.f32 v44, v1  }
0x232: {  	(erf) = vpow2.f32 v45;
	v3 =	vadd.f32 v33, v3;
	v8 =	vadd.f32 v8, v10  }
0x233: {  	v2 =	vadd.f32 v47, v2;
	v0 =	vadd.f32 v32, v0;
	(erf) = vpow2.f32 v31  }
0x234: {  	v32 =	vld [tilespmem:$0x1FF40];
	(erf) = vpow2.f32 v30;
	v3 =	vadd.f32 v21, v3;
	v21 =	vpop (erf);
	v6 =	vadd.f32 v62, v8  }
0x235: {  	v34 =	vld [tilespmem:$0x1FF50];
	v1 =	vadd.f32 v35, v1;
	(erf) = vpow2.f32 v19;
	v11 =	vadd.f32 v21, v28  }
0x236: {  	v36 =	vld [tilespmem:$0x1FF20];
	v2 =	vadd.f32 v39, v2;
	(erf) = vpow2.f32 v18;
	v28 =	vpop (erf);
	v4 =	vadd.f32 v60, v6  }
0x237: {  	(erf) = vpow2.f32 v15;
	v29 =	vadd.f32 v28, v27;
	v30 =	vpop (erf);
	v9 =	vadd.f32 v9, v11  }
0x238: {  	(erf) = vpow2.f32 v14;
	v31 =	vpop (erf);
	v10 =	vadd.f32 v30, v24;
	v4 =	vadd.f32 v40, v4;
	v40 =	vld [tilespmem:$0x1FF30]  }
0x239: {  	v0 =	vadd.f32 v20, v0;
	(erf) = vpow2.f32 v32;
	v11 =	vadd.f32 v31, v29;
	v33 =	vpop (erf)  }
0x23a: {  	(erf) = vpow2.f32 v34;
	v7 =	vadd.f32 v63, v9;
	v35 =	vpop (erf);
	v8 =	vadd.f32 v33, v10  }
0x23b: {  	v1 =	vadd.f32 v22, v1;
	(erf) = vpow2.f32 v36;
	v9 =	vadd.f32 v35, v11;
	v37 =	vpop (erf)  }
0x23c: {  	v5 =	vadd.f32 v61, v7;
	v38 =	vpop (erf);
	v6 =	vadd.f32 v37, v8  }
0x23d: {  	v2 =	vadd.f32 v23, v2;
	v7 =	vadd.f32 v38, v9;
	v39 =	vpop (erf);
	(erf) = vpow2.f32 v40  }
0x23e: {  	(xrf2) =	vadd.scan.msk.f32 $0xffff, v0;
	v5 =	vadd.f32 v41, v5;
	v42 =	vpop (erf);
	v6 =	vadd.f32 v39, v6  }
0x23f: {  	v7 =	vadd.f32 v42, v7;
	v4 =	vadd.f32 v25, v4;
	v43 =	vpop (erf)  }
0x240: {  	v5 =	vadd.f32 v26, v5;
	v44 =	vpop (erf);
	v6 =	vadd.f32 v43, v6  }
0x241: {  	v7 =	vadd.f32 v44, v7;
	v4 =	vadd.f32 v16, v4;
	v45 =	vpop (erf)  }
0x242: {  	(xrf2) =	vadd.scan.msk.f32 $0xffff, v3;
	v5 =	vadd.f32 v17, v5;
	v46 =	vpop (erf);
	v0 =	vadd.f32 v45, v6  }
0x243: {  	(xrf2) =	vadd.scan.msk.f32 $0xffff, v1;
	v3 =	vadd.f32 v46, v7;
	v4 =	vadd.f32 v12, v4;
	v47 =	vpop (erf)  }
0x244: {  	v51 =	vld [tilespmem:$0x1FEF0];
	(xrf2) =	vadd.scan.msk.f32 $0xffff, v2;
	v5 =	vadd.f32 v13, v5;
	v48 =	vpop (erf)  }
0x245: {  	v56 =	vld [tilespmem:$0x1FF60];
	v0 =	vadd.f32 v47, v0;
	v2 =	vadd.f32 v48, v3;
	(xrf2) =	vadd.scan.msk.f32 $0xffff, v4  }
0x246: {  	v52 =	vld [tilespmem:$0x1FF00];
	(xrf2) =	vadd.scan.msk.f32 $0xffff, v5;
	v49 =	vpop (erf)  }
0x247: {  	v54 =	vld [tilespmem:$0x1FFF0];
	(xrf2) =	vadd.scan.msk.f32 $0xffff, v2;
	v0 =	vadd.f32 v49, v0  }
0x248: {  	v50, _, _ =	vpop (xrf2)  }
0x249: {  	(xrf2) =	vadd.scan.msk.f32 $0xffff, v0;
	v0 =	vbroadcast v50, $0xF  }
0x24a: {  	vm1 =	vcmask $0x2320  }
0x24b: {  	v1 =	vadd.s32 v51, v52;
	v0 =	vsel vm1, v0, v56;
	vm1 =	vcmask $0x3F20  }
0x24c: {  	v1 =	vadd.s32 v54, v1;
	v53, _, _ =	vpop (xrf2)  }
0x24d: {  	v55, _, _ =	vpop (xrf2);
	v2 =	vbroadcast v53, $0xF  }
0x24e: {  	v57, _, _ =	vpop (xrf2);
	v3 =	vbroadcast v55, $0xF  }
0x24f: {  	v4 =	vbroadcast v57, $0xF;
	v58, _, _ =	vpop (xrf2);
	v0 =	vsel vm9, v0, v2  }
0x250: {  	v63 =	vld [tilespmem:$0x1FF10];
	v59, _, _ =	vpop (xrf2);
	v2 =	vbroadcast v58, $0xF;
	v0 =	vsel vm10, v0, v3  }
0x251: {  	s4 =	sadd.s32 $0x1, s4;
	v60, _, _ =	vpop (xrf2);
	v3 =	vbroadcast v59, $0xF;
	v0 =	vsel vm11, v0, v4;
	v1 =	vld.idx.msk [tilespmem:v1+s0+$0x0], vm1  }
0x252: {  	p0 =	sne.s32 s4, $0x20;
	v61 =	vbroadcast v60, $0xF;
	v0 =	vsel vm12, v0, v2  }
.Ltmp2:
0x253: {  	v0 =	vsel vm13, v0, v3;
	(pc) =	sbr.rel @p0 .LBB2_2-.Ltmp2, $4  }
0x254: {  	v0 =	vsel vm14, v0, v61;
	v62, _, _ =	vpop (xrf2)  }
0x255: {  	v0 =	vsel vm15, v0, v62  }
0x256: {  	[tilespmem:s3+$0x10400] =	vst v0;
	v1 =	vsel vm7, v63, v1  }
0x257: {  	[tilespmem:s3+$0x10600] =	vst v1  }
0x258: {  	s3 =	simm.s32 $0x3  }
0x259: {  	_ =	swait.ge [sflag:s3], $0x8000  }
0x25a: {  	[sflag:s3] =	ssyncset.done $0x0  }
0x25b: {  	s6 =	simm.s32 $0x4;
	[sflag:s3] =	ssyncadd.s32 $0xFFFF8000  }
0x25c: {  	_ =	swait.ge [sflag:s6], $0x8000  }
0x25d: {  	s29 =	simm.s32 $0x0;
	s4 =	simm.s32 $0x10400;
	[sflag:s6] =	ssyncset.done $0x0  }
0x25e: {  	s7 =	rddreg [dreg:$0x8];
	[sflag:s6] =	ssyncadd.s32 $0xFFFF8000;
	s6 =	simm.s32 $0x5  }
0x25f: {  	[hbm4b:s7+s29] =	stream.linear.scatter [tilespmem:s4], [sflag:$0x5], $0x200, $0x38;
	[tilespmem:$0x10800] =	vst v63  }
0x260: {  	_ =	swait.ge [sflag:s6], $0x200  }
0x261: {  	[sflag:s6] =	ssyncset.done $0x0  }
0x262: {  	s7 =	simm.s32 $0x10600;
	s4 =	rddreg [dreg:$0x9];
	[sflag:s6] =	ssyncadd.s32 $0xFFFFFE00  }
0x263: {  	[hbm4b:s4+s29] =	stream.linear.scatter [tilespmem:s7], [sflag:$0x5], $0x200, $0x38;
	[tilespmem:$0x10800] =	vst v63  }
0x264: {  	_ =	swait.ge [sflag:s6], $0x200  }
0x265: {  	s3 =	rddreg [dreg:$0xb]  }
0x266: {  	s7 =	rddreg [dreg:$0xa];
	s4 =	sadd.s32 $0x1, s3  }
0x267: {  	p0 =	sne.s32 s4, s7  }
.Ltmp3:
0x268: {  	_ = 	snop;
	(pc) =	sbr.rel @p0 .LBB2_1-.Ltmp3, $3  }
0x269: {  	_ =	sdelay $0x1  }
0x26a: {  	[sflag:s6] =	ssyncset.done $0x0  }
0x26b: {  	[sflag:s6] =	ssyncadd.s32 $0xFFFFFE00  }
0x26c: {  	_ =	sfence.sel $0x180000  }
0x26d: {  	[bflag:$0x0] =	sbarrier.arrive $0xFFFF  }
0x26e: {  	_ =	strace $0x90000047  }
0x26f: {  	s0 =	stileid.u32;
	[bflag:$0x2] =	sbarrier.arrive $0xFFFF  }
0x270: {  	p0 =	sne.s32 s0, $0x0;
	s0 =	rddreg [dreg:$0x5]  }
0x271: {  	s0 =	sadd.s32 @!p0 $0x100000, s0  }
0x272: {  	[sflag:s0] =	ssyncadd.tile.s32 @!p0 $0x1;
	_ =	shalt  }
.Lfunc_end2:
_tile_overlayer_lowered:
.L_overlay_start_2:
0x273: {  	(tag) =	ssettag $0x2  }
0x274: {  	s0 =	rddreg [dreg:$0x0];
	s2 =	stileid.u32  }
0x275: {  	s1 =	rddreg [dreg:$0x1];
	p0 =	sne.s32 s2, $0x0  }
0x276: {  	s3 =	rddreg [dreg:$0x2];
	[bflag:$0x3] =	sbarrier.arrive $0xFFFF;
	s2 =	simm.s32 @!p0 $0x1C05  }
0x277: {  	[timem:s3], [sflag:s2] =	dma.local @!p0 [hbm:s0], s1  }
0x278: {  	s0 =	simm.s32 @!p0 $0x5  }
0x279: {  	_ =	swait.ge @!p0 [sflag:s0], s1  }
0x27a: {  	s1 =	ssub.s32 @!p0 $0x0, s1;
	[sflag:s0] =	ssyncset.done @!p0 $0x0  }
0x27b: {  	[sflag:s0] =	ssyncadd.s32 @!p0 s1  }
0x27c: {  	[bflag:$0x3] =	sbarrier.arrive $0xFFFF  }
0x27d: {  	_ =	shalt  }

</sc_bundles>
